<compile_context>
chip_gen: v7x
topology: tpu7x:2x2x1
jax: 0.10.2.dev20260603
libtpu: 0.0.44.dev20260713+nightly
codegen_flags: <defaults>
</compile_context>

<pallas_src>
import functools

import jax
import jax.numpy as jnp
from jax import lax
from jax.experimental import pallas as pl
from jax.experimental.pallas import tpu as pltpu
from jax.experimental.pallas import tpu_sc as plsc

D = 64
NC, NS = 2, 16
NW = NC * NS
CHUNK = 800
LANES = 16
BIG = 0x7FFFFFFF


def _embed_call(xf, table):
    B = xf.shape[0]
    bpw = B // NW
    nchunk = bpw // CHUNK
    vregs_per_chunk = CHUNK // LANES

    mesh = plsc.VectorSubcoreMesh(
        core_axis_name="c", subcore_axis_name="s", num_cores=NC, num_subcores=NS
    )

    @functools.partial(
        pl.kernel,
        out_type=jax.ShapeDtypeStruct((B, D), jnp.float32),
        mesh=mesh,
        compiler_params=pltpu.CompilerParams(use_tc_tiling_on_sc=False),
        scratch_types=[
            pltpu.VMEM((CHUNK,), jnp.int32),
            pltpu.VMEM((CHUNK,), jnp.int32),
            pltpu.VMEM((CHUNK, D), jnp.float32),
            pltpu.VMEM((CHUNK, D), jnp.float32),
            pltpu.SemaphoreType.DMA,
            pltpu.SemaphoreType.DMA,
            pltpu.SemaphoreType.DMA,
            pltpu.SemaphoreType.DMA,
            pltpu.SemaphoreType.DMA,
            pltpu.SemaphoreType.DMA,
        ],
    )
    def run(x_hbm, table_hbm, out_hbm, idxb0, idxb1, data0, data1,
            s_i0, s_i1, s_g0, s_g1, s_w0, s_w1):
        wid = lax.axis_index("s") * NC + lax.axis_index("c")
        base = wid * bpw
        idxb = (idxb0, idxb1)
        data = (data0, data1)
        s_i = (s_i0, s_i1)
        s_g = (s_g0, s_g1)
        s_w = (s_w0, s_w1)

        def start_idx(g, b):
            pltpu.async_copy(x_hbm.at[pl.ds(base + g * CHUNK, CHUNK)], idxb[b], s_i[b])

        def wait_idx(b):
            pltpu.make_async_copy(x_hbm.at[pl.ds(0, CHUNK)], idxb[b], s_i[b]).wait()

        def start_gather(b):
            pltpu.async_copy(table_hbm.at[idxb[b]], data[b], s_g[b])

        def wait_gather(b):
            pltpu.make_async_copy(table_hbm.at[idxb[b]], data[b], s_g[b]).wait()

        def start_write(g, b):
            pltpu.async_copy(
                data[b], out_hbm.at[pl.ds(base + g * CHUNK, CHUNK)], s_w[b]
            )

        def wait_write(b):
            pltpu.make_async_copy(
                data[b], out_hbm.at[pl.ds(0, CHUNK)], s_w[b]
            ).wait()

        lane = lax.iota(jnp.int32, LANES)
        zero16 = jnp.zeros((LANES,), jnp.float32)

        def fix_padding_rows(b):
            def scan(j, vmin):
                v = idxb[b][pl.ds(j * LANES, LANES)]
                return jnp.minimum(vmin, jnp.where(v == 0, j * LANES + lane, BIG))

            vmin = lax.fori_loop(
                0, vregs_per_chunk, scan, jnp.full((LANES,), BIG, jnp.int32)
            )
            fzp = vmin[0]
            for i in range(1, LANES):
                fzp = jnp.minimum(fzp, vmin[i])

            @pl.when(fzp != BIG)
            def _zero_rows():
                def body(j, carry):
                    v = idxb[b][pl.ds(j * LANES, LANES)]
                    for i in range(LANES):
                        @pl.when(v[i] == 0)
                        def _clear():
                            row = j * LANES + i
                            for k in range(D // LANES):
                                data[b][row, pl.ds(k * LANES, LANES)] = zero16

                    return carry

                lax.fori_loop(0, vregs_per_chunk, body, 0)

        start_idx(0, 0)
        start_idx(1, 1)
        wait_idx(0)
        start_gather(0)

        def outer(gg, carry):
            for b in (0, 1):
                g = gg * 2 + b
                wait_gather(b)
                fix_padding_rows(b)

                @pl.when(g >= 1)
                def _drain_prev_write():
                    wait_write(1 - b)

                start_write(g, b)

                @pl.when(g + 1 < nchunk)
                def _start_next_gather():
                    wait_idx(1 - b)
                    start_gather(1 - b)

                @pl.when(g + 2 < nchunk)
                def _start_next_idx():
                    start_idx(g + 2, b)

            return carry

        assert nchunk % 2 == 0
        lax.fori_loop(0, nchunk // 2, outer, 0)
        wait_write((nchunk - 1) % 2)

    return run(xf, table)


def kernel(x, table):
    b, l = x.shape
    xf = x.reshape(-1).astype(jnp.int32)
    out = _embed_call(xf, table)
    return out.reshape(b, l, D)

# --- scband reference (transcript-rebuilt; emitter-appended) ---
"""Pipeline reference for scband-embedder-19146964205750 (READ-ONLY COPY).

The authoritative reference and input builder live on the scoring server;
editing this copy changes nothing except your own understanding.
"""

import jax, jax.numpy as jnp
import numpy as np

VOCAB = 1000000
EMBED_DIM = 64
BATCH = 4096
SEQ = 200

def setup_inputs(seed: int = 0) -> dict:
    key = jax.random.key(seed)
    k_idx, k_tab = jax.random.split(key)
    x = jax.random.randint(k_idx, (BATCH, SEQ), 0, VOCAB, dtype=jnp.int64 if jax.config.jax_enable_x64 else jnp.int32)
    table = jax.random.normal(k_tab, (VOCAB, EMBED_DIM), dtype=jnp.float32)
    return {"x": x, "table": table}

def reference(x, table):
    # nn.Embedding with padding_idx=0: row 0 of the table is zeroed.
    table_z = table.at[0].set(0.0)
    embedded = jnp.take(table_z, x, axis=0)  # [B, L, D]
    # dropout p=0.0 -> identity; positional_encodings=False -> identity
    return embedded

if __name__ == "__main__":
    import jax
    _d = setup_inputs()
    print(jax.jit(kernel)(*tuple(_d.values())))

</pallas_src>

<mosaic_0001>
#map = affine_map<(d0, d1) -> (0)>
#map1 = affine_map<(d0, d1) -> (0, 0)>
module attributes {stable_mosaic.version = 14 : i64} {
  func.func @run(%arg0: i32, %arg1: i32, %arg2: memref<819200xi32, #tpu.memory_space<hbm>>, %arg3: memref<1000000x64xf32, #tpu.memory_space<hbm>>, %arg4: memref<819200x64xf32, #tpu.memory_space<hbm>>, %arg5: memref<800xi32, #tpu.memory_space<vmem>>, %arg6: memref<800xi32, #tpu.memory_space<vmem>>, %arg7: memref<800x64xf32, #tpu.memory_space<vmem>>, %arg8: memref<800x64xf32, #tpu.memory_space<vmem>>, %arg9: memref<!tpu.dma_semaphore, #tpu.memory_space<semaphore_mem>>, %arg10: memref<!tpu.dma_semaphore, #tpu.memory_space<semaphore_mem>>, %arg11: memref<!tpu.dma_semaphore, #tpu.memory_space<semaphore_mem>>, %arg12: memref<!tpu.dma_semaphore, #tpu.memory_space<semaphore_mem>>, %arg13: memref<!tpu.dma_semaphore, #tpu.memory_space<semaphore_mem>>, %arg14: memref<!tpu.dma_semaphore, #tpu.memory_space<semaphore_mem>>) attributes {dimension_semantics = [#tpu.dimension_semantics<core_parallel>, #tpu.dimension_semantics<subcore_parallel>], iteration_bounds = array<i64: 2, 16>, scalar_prefetch = 0 : i64, scratch_operands = 10 : i64, tpu.core_type = #tpu.core_type<sc_vector_subcore>, window_params = [{transform_indices = #map}, {transform_indices = #map1}, {transform_indices = #map1}]} {
    %mul3A = arith.constant 2 : i32
    %mul3A_0 = arith.muli %arg1, %mul3A : i32
    %add3A = arith.addi %mul3A_0, %arg0 : i32
    %mul3A_1 = arith.constant 25600 : i32
    %mul3A_2 = arith.muli %add3A, %mul3A_1 : i32
    %iota3A = tpu.iota {dimensions = array<i32: 0>} : vector<16xi32>
    %broadcast_in_dim3A = arith.constant 0.000000e+00 : f32
    %broadcast_in_dim3A_3 = vector.broadcast %broadcast_in_dim3A : f32 to vector<16xf32>
    %add3A_4 = arith.constant 0 : i32
    %add3A_5 = arith.addi %mul3A_2, %add3A_4 : i32
    %dma_start3A = tpu.memref_slice %arg2[%add3A_5] : memref<819200xi32, #tpu.memory_space<hbm>> -> memref<800xi32, #tpu.memory_space<hbm>>
    %dma_start3A_6 = tpu.memref_slice %arg2[%add3A_5] : memref<819200xi32, #tpu.memory_space<hbm>> -> memref<800xi32, #tpu.memory_space<hbm>>
    tpu.enqueue_dma source(%dma_start3A_6 : memref<800xi32, #tpu.memory_space<hbm>>) target(%arg5 : memref<800xi32, #tpu.memory_space<vmem>>) target_semaphore(%arg9 : memref<!tpu.dma_semaphore, #tpu.memory_space<semaphore_mem>>)
    %add3A_7 = arith.constant 800 : i32
    %add3A_8 = arith.addi %mul3A_2, %add3A_7 : i32
    %dma_start3A_9 = tpu.memref_slice %arg2[%add3A_8] : memref<819200xi32, #tpu.memory_space<hbm>> -> memref<800xi32, #tpu.memory_space<hbm>>
    %dma_start3A_10 = tpu.memref_slice %arg2[%add3A_8] : memref<819200xi32, #tpu.memory_space<hbm>> -> memref<800xi32, #tpu.memory_space<hbm>>
    tpu.enqueue_dma source(%dma_start3A_10 : memref<800xi32, #tpu.memory_space<hbm>>) target(%arg6 : memref<800xi32, #tpu.memory_space<vmem>>) target_semaphore(%arg10 : memref<!tpu.dma_semaphore, #tpu.memory_space<semaphore_mem>>)
    %dma_wait3A = arith.constant 0 : i32
    %dma_wait3A_11 = tpu.memref_slice %arg2[%dma_wait3A] : memref<819200xi32, #tpu.memory_space<hbm>> -> memref<800xi32, #tpu.memory_space<hbm>>
    %dma_wait3A_12 = arith.constant 0 : i32
    %dma_wait3A_13 = tpu.memref_slice %arg2[%dma_wait3A_12] : memref<819200xi32, #tpu.memory_space<hbm>> -> memref<800xi32, #tpu.memory_space<hbm>>
    tpu.wait_dma2 semaphore(%arg9 : memref<!tpu.dma_semaphore, #tpu.memory_space<semaphore_mem>>) src(%dma_wait3A_13 : memref<800xi32, #tpu.memory_space<hbm>>) dst(%arg5 : memref<800xi32, #tpu.memory_space<vmem>>)
    %dma_start3A_14 = arith.constant 0 : i32
    %dma_start3A_15 = arith.constant 0 : i32
    %dma_start3A_16 = tpu.memref_slice %arg3[%dma_start3A_14, %dma_start3A_15] : memref<1000000x64xf32, #tpu.memory_space<hbm>> -> memref<1000000x64xf32, #tpu.memory_space<hbm>>
    tpu.enqueue_indirect_dma source(%dma_start3A_16 : memref<1000000x64xf32, #tpu.memory_space<hbm>>) target(%arg7 : memref<800x64xf32, #tpu.memory_space<vmem>>) offsets(%arg5 : memref<800xi32, #tpu.memory_space<vmem>>) semaphore(%arg11 : memref<!tpu.dma_semaphore, #tpu.memory_space<semaphore_mem>>)
    %scan3A = arith.constant 0 : i32
    %scan3A_17 = arith.constant 0 : i32
    %scan3A_18 = arith.constant 16 : i32
    %scan3A_19 = arith.addi %scan3A_17, %scan3A_18 : i32
    %scan3A_20 = arith.constant 1 : i32
    scf.for %scan3A_28 = %scan3A_17 to %scan3A_19 step %scan3A_20  : i32 {
      %mul3A_29 = arith.constant 2 : i32
      %mul3A_30 = arith.muli %scan3A_28, %mul3A_29 : i32
      %add3A_31 = arith.constant 0 : i32
      %add3A_32 = arith.addi %mul3A_30, %add3A_31 : i32
      %dma_wait3A_33 = arith.constant 0 : i32
      %dma_wait3A_34 = arith.constant 0 : i32
      %dma_wait3A_35 = tpu.memref_slice %arg3[%dma_wait3A_33, %dma_wait3A_34] : memref<1000000x64xf32, #tpu.memory_space<hbm>> -> memref<1000000x64xf32, #tpu.memory_space<hbm>>
      tpu.wait_indirect_dma semaphore(%arg11 : memref<!tpu.dma_semaphore, #tpu.memory_space<semaphore_mem>>) src(%dma_wait3A_35 : memref<1000000x64xf32, #tpu.memory_space<hbm>>) dst(%arg7 : memref<800x64xf32, #tpu.memory_space<vmem>>)
      %broadcast_in_dim3A_36 = arith.constant 2147483647 : i32
      %broadcast_in_dim3A_37 = vector.broadcast %broadcast_in_dim3A_36 : i32 to vector<16xi32>
      %scan3A_38 = arith.constant 0 : i32
      %scan3A_39 = arith.constant 50 : i32
      %scan3A_40 = arith.addi %scan3A_38, %scan3A_39 : i32
      %scan3A_41 = arith.constant 1 : i32
      %scan3A_42 = scf.for %scan3A_207 = %scan3A_38 to %scan3A_40 step %scan3A_41 iter_args(%scan3A_208 = %broadcast_in_dim3A_37) -> (vector<16xi32>)  : i32 {
        %mul3A_209 = arith.constant 16 : i32
        %mul3A_210 = arith.muli %scan3A_207, %mul3A_209 : i32
        %get3A = arith.index_cast %mul3A_210 : i32 to index
        %get3A_211 = tpu.vector_load %arg5[%get3A] {strides = array<i32>} : memref<800xi32, #tpu.memory_space<vmem>>, vector<16xi32>,
        %get3A_212 = vector.shape_cast %get3A_211 : vector<16xi32> to vector<16xi32>
        %eq3A = arith.constant 0 : i32
        %eq3A_213 = vector.broadcast %eq3A : i32 to vector<16xi32>
        %eq3A_214 = arith.cmpi eq, %get3A_212, %eq3A_213 : vector<16xi32>
        %mul3A_215 = arith.constant 16 : i32
        %mul3A_216 = arith.muli %scan3A_207, %mul3A_215 : i32
        %add3A_217 = vector.broadcast %mul3A_216 : i32 to vector<16xi32>
        %add3A_218 = arith.addi %add3A_217, %iota3A : vector<16xi32>
        %jit3A = arith.constant 2147483647 : i32
        %broadcast_in_dim3A_219 = vector.broadcast %jit3A : i32 to vector<16xi32>
        %select_n3A = arith.select %eq3A_214, %add3A_218, %broadcast_in_dim3A_219 : vector<16xi1>, vector<16xi32>
        %min3A_220 = arith.minsi %scan3A_208, %select_n3A : vector<16xi32>
        scf.yield %min3A_220 : vector<16xi32>
      }
      %scan3A_43 = arith.constant 50 : i32
      %slice3A = vector.extract_strided_slice %scan3A_42 {offsets = [0], sizes = [1], strides = [1]} : vector<16xi32> to vector<1xi32>
      %squeeze3A = vector.extract %slice3A[0] : i32 from vector<1xi32>
      %slice3A_44 = vector.extract_strided_slice %scan3A_42 {offsets = [1], sizes = [1], strides = [1]} : vector<16xi32> to vector<1xi32>
      %squeeze3A_45 = vector.extract %slice3A_44[0] : i32 from vector<1xi32>
      %min3A = arith.minsi %squeeze3A, %squeeze3A_45 : i32
      %slice3A_46 = vector.extract_strided_slice %scan3A_42 {offsets = [2], sizes = [1], strides = [1]} : vector<16xi32> to vector<1xi32>
      %squeeze3A_47 = vector.extract %slice3A_46[0] : i32 from vector<1xi32>
      %min3A_48 = arith.minsi %min3A, %squeeze3A_47 : i32
      %slice3A_49 = vector.extract_strided_slice %scan3A_42 {offsets = [3], sizes = [1], strides = [1]} : vector<16xi32> to vector<1xi32>
      %squeeze3A_50 = vector.extract %slice3A_49[0] : i32 from vector<1xi32>
      %min3A_51 = arith.minsi %min3A_48, %squeeze3A_50 : i32
      %slice3A_52 = vector.extract_strided_slice %scan3A_42 {offsets = [4], sizes = [1], strides = [1]} : vector<16xi32> to vector<1xi32>
      %squeeze3A_53 = vector.extract %slice3A_52[0] : i32 from vector<1xi32>
      %min3A_54 = arith.minsi %min3A_51, %squeeze3A_53 : i32
      %slice3A_55 = vector.extract_strided_slice %scan3A_42 {offsets = [5], sizes = [1], strides = [1]} : vector<16xi32> to vector<1xi32>
      %squeeze3A_56 = vector.extract %slice3A_55[0] : i32 from vector<1xi32>
      %min3A_57 = arith.minsi %min3A_54, %squeeze3A_56 : i32
      %slice3A_58 = vector.extract_strided_slice %scan3A_42 {offsets = [6], sizes = [1], strides = [1]} : vector<16xi32> to vector<1xi32>
      %squeeze3A_59 = vector.extract %slice3A_58[0] : i32 from vector<1xi32>
      %min3A_60 = arith.minsi %min3A_57, %squeeze3A_59 : i32
      %slice3A_61 = vector.extract_strided_slice %scan3A_42 {offsets = [7], sizes = [1], strides = [1]} : vector<16xi32> to vector<1xi32>
      %squeeze3A_62 = vector.extract %slice3A_61[0] : i32 from vector<1xi32>
      %min3A_63 = arith.minsi %min3A_60, %squeeze3A_62 : i32
      %slice3A_64 = vector.extract_strided_slice %scan3A_42 {offsets = [8], sizes = [1], strides = [1]} : vector<16xi32> to vector<1xi32>
      %squeeze3A_65 = vector.extract %slice3A_64[0] : i32 from vector<1xi32>
      %min3A_66 = arith.minsi %min3A_63, %squeeze3A_65 : i32
      %slice3A_67 = vector.extract_strided_slice %scan3A_42 {offsets = [9], sizes = [1], strides = [1]} : vector<16xi32> to vector<1xi32>
      %squeeze3A_68 = vector.extract %slice3A_67[0] : i32 from vector<1xi32>
      %min3A_69 = arith.minsi %min3A_66, %squeeze3A_68 : i32
      %slice3A_70 = vector.extract_strided_slice %scan3A_42 {offsets = [10], sizes = [1], strides = [1]} : vector<16xi32> to vector<1xi32>
      %squeeze3A_71 = vector.extract %slice3A_70[0] : i32 from vector<1xi32>
      %min3A_72 = arith.minsi %min3A_69, %squeeze3A_71 : i32
      %slice3A_73 = vector.extract_strided_slice %scan3A_42 {offsets = [11], sizes = [1], strides = [1]} : vector<16xi32> to vector<1xi32>
      %squeeze3A_74 = vector.extract %slice3A_73[0] : i32 from vector<1xi32>
      %min3A_75 = arith.minsi %min3A_72, %squeeze3A_74 : i32
      %slice3A_76 = vector.extract_strided_slice %scan3A_42 {offsets = [12], sizes = [1], strides = [1]} : vector<16xi32> to vector<1xi32>
      %squeeze3A_77 = vector.extract %slice3A_76[0] : i32 from vector<1xi32>
      %min3A_78 = arith.minsi %min3A_75, %squeeze3A_77 : i32
      %slice3A_79 = vector.extract_strided_slice %scan3A_42 {offsets = [13], sizes = [1], strides = [1]} : vector<16xi32> to vector<1xi32>
      %squeeze3A_80 = vector.extract %slice3A_79[0] : i32 from vector<1xi32>
      %min3A_81 = arith.minsi %min3A_78, %squeeze3A_80 : i32
      %slice3A_82 = vector.extract_strided_slice %scan3A_42 {offsets = [14], sizes = [1], strides = [1]} : vector<16xi32> to vector<1xi32>
      %squeeze3A_83 = vector.extract %slice3A_82[0] : i32 from vector<1xi32>
      %min3A_84 = arith.minsi %min3A_81, %squeeze3A_83 : i32
      %slice3A_85 = vector.extract_strided_slice %scan3A_42 {offsets = [15], sizes = [1], strides = [1]} : vector<16xi32> to vector<1xi32>
      %squeeze3A_86 = vector.extract %slice3A_85[0] : i32 from vector<1xi32>
      %min3A_87 = arith.minsi %min3A_84, %squeeze3A_86 : i32
      %ne3A = arith.constant 2147483647 : i32
      %ne3A_88 = arith.cmpi ne, %min3A_87, %ne3A : i32
      %convert_element_type3A = arith.extui %ne3A_88 : i1 to i32
      %cond3A = arith.constant 0 : i32
      %cond3A_89 = arith.cmpi ne, %convert_element_type3A, %cond3A : i32
      scf.if %cond3A_89 {
        %scan3A_207 = arith.constant 0 : i32
        %scan3A_208 = arith.constant 0 : i32
        %scan3A_209 = arith.constant 50 : i32
        %scan3A_210 = arith.addi %scan3A_208, %scan3A_209 : i32
        %scan3A_211 = arith.constant 1 : i32
        scf.for %scan3A_213 = %scan3A_208 to %scan3A_210 step %scan3A_211  : i32 {
          %mul3A_214 = arith.constant 16 : i32
          %mul3A_215 = arith.muli %scan3A_213, %mul3A_214 : i32
          %get3A = arith.index_cast %mul3A_215 : i32 to index
          %get3A_216 = tpu.vector_load %arg5[%get3A] {strides = array<i32>} : memref<800xi32, #tpu.memory_space<vmem>>, vector<16xi32>,
          %get3A_217 = vector.shape_cast %get3A_216 : vector<16xi32> to vector<16xi32>
          %slice3A_218 = vector.extract_strided_slice %get3A_217 {offsets = [0], sizes = [1], strides = [1]} : vector<16xi32> to vector<1xi32>
          %squeeze3A_219 = vector.extract %slice3A_218[0] : i32 from vector<1xi32>
          %eq3A = arith.constant 0 : i32
          %eq3A_220 = arith.cmpi eq, %squeeze3A_219, %eq3A : i32
          %convert_element_type3A_221 = arith.extui %eq3A_220 : i1 to i32
          %cond3A_222 = arith.constant 0 : i32
          %cond3A_223 = arith.cmpi ne, %convert_element_type3A_221, %cond3A_222 : i32
          scf.if %cond3A_223 {
            %mul3A_329 = arith.constant 16 : i32
            %mul3A_330 = arith.muli %scan3A_213, %mul3A_329 : i32
            %add3A_331 = arith.constant 0 : i32
            %add3A_332 = arith.addi %mul3A_330, %add3A_331 : i32
            %swap3A = arith.index_cast %add3A_332 : i32 to index
            %swap3A_333 = arith.constant 0 : index
            %swap3A_334 = tpu.vector_load %arg7[%swap3A, %swap3A_333] {strides = array<i32>} : memref<800x64xf32, #tpu.memory_space<vmem>>, vector<1x16xf32>,
            %swap3A_335 = vector.shape_cast %swap3A_334 : vector<1x16xf32> to vector<16xf32>
            %swap3A_336 = vector.shape_cast %broadcast_in_dim3A_3 : vector<16xf32> to vector<1x16xf32>
            tpu.vector_store %arg7[%swap3A, %swap3A_333], %swap3A_336 {strides = array<i32>} : memref<800x64xf32, #tpu.memory_space<vmem>>, vector<1x16xf32>,
            %swap3A_337 = arith.index_cast %add3A_332 : i32 to index
            %swap3A_338 = arith.constant 16 : index
            %swap3A_339 = tpu.vector_load %arg7[%swap3A_337, %swap3A_338] {strides = array<i32>} : memref<800x64xf32, #tpu.memory_space<vmem>>, vector<1x16xf32>,
            %swap3A_340 = vector.shape_cast %swap3A_339 : vector<1x16xf32> to vector<16xf32>
            %swap3A_341 = vector.shape_cast %broadcast_in_dim3A_3 : vector<16xf32> to vector<1x16xf32>
            tpu.vector_store %arg7[%swap3A_337, %swap3A_338], %swap3A_341 {strides = array<i32>} : memref<800x64xf32, #tpu.memory_space<vmem>>, vector<1x16xf32>,
            %swap3A_342 = arith.index_cast %add3A_332 : i32 to index
            %swap3A_343 = arith.constant 32 : index
            %swap3A_344 = tpu.vector_load %arg7[%swap3A_342, %swap3A_343] {strides = array<i32>} : memref<800x64xf32, #tpu.memory_space<vmem>>, vector<1x16xf32>,
            %swap3A_345 = vector.shape_cast %swap3A_344 : vector<1x16xf32> to vector<16xf32>
            %swap3A_346 = vector.shape_cast %broadcast_in_dim3A_3 : vector<16xf32> to vector<1x16xf32>
            tpu.vector_store %arg7[%swap3A_342, %swap3A_343], %swap3A_346 {strides = array<i32>} : memref<800x64xf32, #tpu.memory_space<vmem>>, vector<1x16xf32>,
            %swap3A_347 = arith.index_cast %add3A_332 : i32 to index
            %swap3A_348 = arith.constant 48 : index
            %swap3A_349 = tpu.vector_load %arg7[%swap3A_347, %swap3A_348] {strides = array<i32>} : memref<800x64xf32, #tpu.memory_space<vmem>>, vector<1x16xf32>,
            %swap3A_350 = vector.shape_cast %swap3A_349 : vector<1x16xf32> to vector<16xf32>
            %swap3A_351 = vector.shape_cast %broadcast_in_dim3A_3 : vector<16xf32> to vector<1x16xf32>
            tpu.vector_store %arg7[%swap3A_347, %swap3A_348], %swap3A_351 {strides = array<i32>} : memref<800x64xf32, #tpu.memory_space<vmem>>, vector<1x16xf32>,
          } else {
          }
          %slice3A_224 = vector.extract_strided_slice %get3A_217 {offsets = [1], sizes = [1], strides = [1]} : vector<16xi32> to vector<1xi32>
          %squeeze3A_225 = vector.extract %slice3A_224[0] : i32 from vector<1xi32>
          %eq3A_226 = arith.constant 0 : i32
          %eq3A_227 = arith.cmpi eq, %squeeze3A_225, %eq3A_226 : i32
          %convert_element_type3A_228 = arith.extui %eq3A_227 : i1 to i32
          %cond3A_229 = arith.constant 0 : i32
          %cond3A_230 = arith.cmpi ne, %convert_element_type3A_228, %cond3A_229 : i32
          scf.if %cond3A_230 {
            %mul3A_329 = arith.constant 16 : i32
            %mul3A_330 = arith.muli %scan3A_213, %mul3A_329 : i32
            %add3A_331 = arith.constant 1 : i32
            %add3A_332 = arith.addi %mul3A_330, %add3A_331 : i32
            %swap3A = arith.index_cast %add3A_332 : i32 to index
            %swap3A_333 = arith.constant 0 : index
            %swap3A_334 = tpu.vector_load %arg7[%swap3A, %swap3A_333] {strides = array<i32>} : memref<800x64xf32, #tpu.memory_space<vmem>>, vector<1x16xf32>,
            %swap3A_335 = vector.shape_cast %swap3A_334 : vector<1x16xf32> to vector<16xf32>
            %swap3A_336 = vector.shape_cast %broadcast_in_dim3A_3 : vector<16xf32> to vector<1x16xf32>
            tpu.vector_store %arg7[%swap3A, %swap3A_333], %swap3A_336 {strides = array<i32>} : memref<800x64xf32, #tpu.memory_space<vmem>>, vector<1x16xf32>,
            %swap3A_337 = arith.index_cast %add3A_332 : i32 to index
            %swap3A_338 = arith.constant 16 : index
            %swap3A_339 = tpu.vector_load %arg7[%swap3A_337, %swap3A_338] {strides = array<i32>} : memref<800x64xf32, #tpu.memory_space<vmem>>, vector<1x16xf32>,
            %swap3A_340 = vector.shape_cast %swap3A_339 : vector<1x16xf32> to vector<16xf32>
            %swap3A_341 = vector.shape_cast %broadcast_in_dim3A_3 : vector<16xf32> to vector<1x16xf32>
            tpu.vector_store %arg7[%swap3A_337, %swap3A_338], %swap3A_341 {strides = array<i32>} : memref<800x64xf32, #tpu.memory_space<vmem>>, vector<1x16xf32>,
            %swap3A_342 = arith.index_cast %add3A_332 : i32 to index
            %swap3A_343 = arith.constant 32 : index
            %swap3A_344 = tpu.vector_load %arg7[%swap3A_342, %swap3A_343] {strides = array<i32>} : memref<800x64xf32, #tpu.memory_space<vmem>>, vector<1x16xf32>,
            %swap3A_345 = vector.shape_cast %swap3A_344 : vector<1x16xf32> to vector<16xf32>
            %swap3A_346 = vector.shape_cast %broadcast_in_dim3A_3 : vector<16xf32> to vector<1x16xf32>
            tpu.vector_store %arg7[%swap3A_342, %swap3A_343], %swap3A_346 {strides = array<i32>} : memref<800x64xf32, #tpu.memory_space<vmem>>, vector<1x16xf32>,
            %swap3A_347 = arith.index_cast %add3A_332 : i32 to index
            %swap3A_348 = arith.constant 48 : index
            %swap3A_349 = tpu.vector_load %arg7[%swap3A_347, %swap3A_348] {strides = array<i32>} : memref<800x64xf32, #tpu.memory_space<vmem>>, vector<1x16xf32>,
            %swap3A_350 = vector.shape_cast %swap3A_349 : vector<1x16xf32> to vector<16xf32>
            %swap3A_351 = vector.shape_cast %broadcast_in_dim3A_3 : vector<16xf32> to vector<1x16xf32>
            tpu.vector_store %arg7[%swap3A_347, %swap3A_348], %swap3A_351 {strides = array<i32>} : memref<800x64xf32, #tpu.memory_space<vmem>>, vector<1x16xf32>,
          } else {
          }
          %slice3A_231 = vector.extract_strided_slice %get3A_217 {offsets = [2], sizes = [1], strides = [1]} : vector<16xi32> to vector<1xi32>
          %squeeze3A_232 = vector.extract %slice3A_231[0] : i32 from vector<1xi32>
          %eq3A_233 = arith.constant 0 : i32
          %eq3A_234 = arith.cmpi eq, %squeeze3A_232, %eq3A_233 : i32
          %convert_element_type3A_235 = arith.extui %eq3A_234 : i1 to i32
          %cond3A_236 = arith.constant 0 : i32
          %cond3A_237 = arith.cmpi ne, %convert_element_type3A_235, %cond3A_236 : i32
          scf.if %cond3A_237 {
            %mul3A_329 = arith.constant 16 : i32
            %mul3A_330 = arith.muli %scan3A_213, %mul3A_329 : i32
            %add3A_331 = arith.constant 2 : i32
            %add3A_332 = arith.addi %mul3A_330, %add3A_331 : i32
            %swap3A = arith.index_cast %add3A_332 : i32 to index
            %swap3A_333 = arith.constant 0 : index
            %swap3A_334 = tpu.vector_load %arg7[%swap3A, %swap3A_333] {strides = array<i32>} : memref<800x64xf32, #tpu.memory_space<vmem>>, vector<1x16xf32>,
            %swap3A_335 = vector.shape_cast %swap3A_334 : vector<1x16xf32> to vector<16xf32>
            %swap3A_336 = vector.shape_cast %broadcast_in_dim3A_3 : vector<16xf32> to vector<1x16xf32>
            tpu.vector_store %arg7[%swap3A, %swap3A_333], %swap3A_336 {strides = array<i32>} : memref<800x64xf32, #tpu.memory_space<vmem>>, vector<1x16xf32>,
            %swap3A_337 = arith.index_cast %add3A_332 : i32 to index
            %swap3A_338 = arith.constant 16 : index
            %swap3A_339 = tpu.vector_load %arg7[%swap3A_337, %swap3A_338] {strides = array<i32>} : memref<800x64xf32, #tpu.memory_space<vmem>>, vector<1x16xf32>,
            %swap3A_340 = vector.shape_cast %swap3A_339 : vector<1x16xf32> to vector<16xf32>
            %swap3A_341 = vector.shape_cast %broadcast_in_dim3A_3 : vector<16xf32> to vector<1x16xf32>
            tpu.vector_store %arg7[%swap3A_337, %swap3A_338], %swap3A_341 {strides = array<i32>} : memref<800x64xf32, #tpu.memory_space<vmem>>, vector<1x16xf32>,
            %swap3A_342 = arith.index_cast %add3A_332 : i32 to index
            %swap3A_343 = arith.constant 32 : index
            %swap3A_344 = tpu.vector_load %arg7[%swap3A_342, %swap3A_343] {strides = array<i32>} : memref<800x64xf32, #tpu.memory_space<vmem>>, vector<1x16xf32>,
            %swap3A_345 = vector.shape_cast %swap3A_344 : vector<1x16xf32> to vector<16xf32>
            %swap3A_346 = vector.shape_cast %broadcast_in_dim3A_3 : vector<16xf32> to vector<1x16xf32>
            tpu.vector_store %arg7[%swap3A_342, %swap3A_343], %swap3A_346 {strides = array<i32>} : memref<800x64xf32, #tpu.memory_space<vmem>>, vector<1x16xf32>,
            %swap3A_347 = arith.index_cast %add3A_332 : i32 to index
            %swap3A_348 = arith.constant 48 : index
            %swap3A_349 = tpu.vector_load %arg7[%swap3A_347, %swap3A_348] {strides = array<i32>} : memref<800x64xf32, #tpu.memory_space<vmem>>, vector<1x16xf32>,
            %swap3A_350 = vector.shape_cast %swap3A_349 : vector<1x16xf32> to vector<16xf32>
            %swap3A_351 = vector.shape_cast %broadcast_in_dim3A_3 : vector<16xf32> to vector<1x16xf32>
            tpu.vector_store %arg7[%swap3A_347, %swap3A_348], %swap3A_351 {strides = array<i32>} : memref<800x64xf32, #tpu.memory_space<vmem>>, vector<1x16xf32>,
          } else {
          }
          %slice3A_238 = vector.extract_strided_slice %get3A_217 {offsets = [3], sizes = [1], strides = [1]} : vector<16xi32> to vector<1xi32>
          %squeeze3A_239 = vector.extract %slice3A_238[0] : i32 from vector<1xi32>
          %eq3A_240 = arith.constant 0 : i32
          %eq3A_241 = arith.cmpi eq, %squeeze3A_239, %eq3A_240 : i32
          %convert_element_type3A_242 = arith.extui %eq3A_241 : i1 to i32
          %cond3A_243 = arith.constant 0 : i32
          %cond3A_244 = arith.cmpi ne, %convert_element_type3A_242, %cond3A_243 : i32
          scf.if %cond3A_244 {
            %mul3A_329 = arith.constant 16 : i32
            %mul3A_330 = arith.muli %scan3A_213, %mul3A_329 : i32
            %add3A_331 = arith.constant 3 : i32
            %add3A_332 = arith.addi %mul3A_330, %add3A_331 : i32
            %swap3A = arith.index_cast %add3A_332 : i32 to index
            %swap3A_333 = arith.constant 0 : index
            %swap3A_334 = tpu.vector_load %arg7[%swap3A, %swap3A_333] {strides = array<i32>} : memref<800x64xf32, #tpu.memory_space<vmem>>, vector<1x16xf32>,
            %swap3A_335 = vector.shape_cast %swap3A_334 : vector<1x16xf32> to vector<16xf32>
            %swap3A_336 = vector.shape_cast %broadcast_in_dim3A_3 : vector<16xf32> to vector<1x16xf32>
            tpu.vector_store %arg7[%swap3A, %swap3A_333], %swap3A_336 {strides = array<i32>} : memref<800x64xf32, #tpu.memory_space<vmem>>, vector<1x16xf32>,
            %swap3A_337 = arith.index_cast %add3A_332 : i32 to index
            %swap3A_338 = arith.constant 16 : index
            %swap3A_339 = tpu.vector_load %arg7[%swap3A_337, %swap3A_338] {strides = array<i32>} : memref<800x64xf32, #tpu.memory_space<vmem>>, vector<1x16xf32>,
            %swap3A_340 = vector.shape_cast %swap3A_339 : vector<1x16xf32> to vector<16xf32>
            %swap3A_341 = vector.shape_cast %broadcast_in_dim3A_3 : vector<16xf32> to vector<1x16xf32>
            tpu.vector_store %arg7[%swap3A_337, %swap3A_338], %swap3A_341 {strides = array<i32>} : memref<800x64xf32, #tpu.memory_space<vmem>>, vector<1x16xf32>,
            %swap3A_342 = arith.index_cast %add3A_332 : i32 to index
            %swap3A_343 = arith.constant 32 : index
            %swap3A_344 = tpu.vector_load %arg7[%swap3A_342, %swap3A_343] {strides = array<i32>} : memref<800x64xf32, #tpu.memory_space<vmem>>, vector<1x16xf32>,
            %swap3A_345 = vector.shape_cast %swap3A_344 : vector<1x16xf32> to vector<16xf32>
            %swap3A_346 = vector.shape_cast %broadcast_in_dim3A_3 : vector<16xf32> to vector<1x16xf32>
            tpu.vector_store %arg7[%swap3A_342, %swap3A_343], %swap3A_346 {strides = array<i32>} : memref<800x64xf32, #tpu.memory_space<vmem>>, vector<1x16xf32>,
            %swap3A_347 = arith.index_cast %add3A_332 : i32 to index
            %swap3A_348 = arith.constant 48 : index
            %swap3A_349 = tpu.vector_load %arg7[%swap3A_347, %swap3A_348] {strides = array<i32>} : memref<800x64xf32, #tpu.memory_space<vmem>>, vector<1x16xf32>,
            %swap3A_350 = vector.shape_cast %swap3A_349 : vector<1x16xf32> to vector<16xf32>
            %swap3A_351 = vector.shape_cast %broadcast_in_dim3A_3 : vector<16xf32> to vector<1x16xf32>
            tpu.vector_store %arg7[%swap3A_347, %swap3A_348], %swap3A_351 {strides = array<i32>} : memref<800x64xf32, #tpu.memory_space<vmem>>, vector<1x16xf32>,
          } else {
          }
          %slice3A_245 = vector.extract_strided_slice %get3A_217 {offsets = [4], sizes = [1], strides = [1]} : vector<16xi32> to vector<1xi32>
          %squeeze3A_246 = vector.extract %slice3A_245[0] : i32 from vector<1xi32>
          %eq3A_247 = arith.constant 0 : i32
          %eq3A_248 = arith.cmpi eq, %squeeze3A_246, %eq3A_247 : i32
          %convert_element_type3A_249 = arith.extui %eq3A_248 : i1 to i32
          %cond3A_250 = arith.constant 0 : i32
          %cond3A_251 = arith.cmpi ne, %convert_element_type3A_249, %cond3A_250 : i32
          scf.if %cond3A_251 {
            %mul3A_329 = arith.constant 16 : i32
            %mul3A_330 = arith.muli %scan3A_213, %mul3A_329 : i32
            %add3A_331 = arith.constant 4 : i32
            %add3A_332 = arith.addi %mul3A_330, %add3A_331 : i32
            %swap3A = arith.index_cast %add3A_332 : i32 to index
            %swap3A_333 = arith.constant 0 : index
            %swap3A_334 = tpu.vector_load %arg7[%swap3A, %swap3A_333] {strides = array<i32>} : memref<800x64xf32, #tpu.memory_space<vmem>>, vector<1x16xf32>,
            %swap3A_335 = vector.shape_cast %swap3A_334 : vector<1x16xf32> to vector<16xf32>
            %swap3A_336 = vector.shape_cast %broadcast_in_dim3A_3 : vector<16xf32> to vector<1x16xf32>
            tpu.vector_store %arg7[%swap3A, %swap3A_333], %swap3A_336 {strides = array<i32>} : memref<800x64xf32, #tpu.memory_space<vmem>>, vector<1x16xf32>,
            %swap3A_337 = arith.index_cast %add3A_332 : i32 to index
            %swap3A_338 = arith.constant 16 : index
            %swap3A_339 = tpu.vector_load %arg7[%swap3A_337, %swap3A_338] {strides = array<i32>} : memref<800x64xf32, #tpu.memory_space<vmem>>, vector<1x16xf32>,
            %swap3A_340 = vector.shape_cast %swap3A_339 : vector<1x16xf32> to vector<16xf32>
            %swap3A_341 = vector.shape_cast %broadcast_in_dim3A_3 : vector<16xf32> to vector<1x16xf32>
            tpu.vector_store %arg7[%swap3A_337, %swap3A_338], %swap3A_341 {strides = array<i32>} : memref<800x64xf32, #tpu.memory_space<vmem>>, vector<1x16xf32>,
            %swap3A_342 = arith.index_cast %add3A_332 : i32 to index
            %swap3A_343 = arith.constant 32 : index
            %swap3A_344 = tpu.vector_load %arg7[%swap3A_342, %swap3A_343] {strides = array<i32>} : memref<800x64xf32, #tpu.memory_space<vmem>>, vector<1x16xf32>,
            %swap3A_345 = vector.shape_cast %swap3A_344 : vector<1x16xf32> to vector<16xf32>
            %swap3A_346 = vector.shape_cast %broadcast_in_dim3A_3 : vector<16xf32> to vector<1x16xf32>
            tpu.vector_store %arg7[%swap3A_342, %swap3A_343], %swap3A_346 {strides = array<i32>} : memref<800x64xf32, #tpu.memory_space<vmem>>, vector<1x16xf32>,
            %swap3A_347 = arith.index_cast %add3A_332 : i32 to index
            %swap3A_348 = arith.constant 48 : index
            %swap3A_349 = tpu.vector_load %arg7[%swap3A_347, %swap3A_348] {strides = array<i32>} : memref<800x64xf32, #tpu.memory_space<vmem>>, vector<1x16xf32>,
            %swap3A_350 = vector.shape_cast %swap3A_349 : vector<1x16xf32> to vector<16xf32>
            %swap3A_351 = vector.shape_cast %broadcast_in_dim3A_3 : vector<16xf32> to vector<1x16xf32>
            tpu.vector_store %arg7[%swap3A_347, %swap3A_348], %swap3A_351 {strides = array<i32>} : memref<800x64xf32, #tpu.memory_space<vmem>>, vector<1x16xf32>,
          } else {
          }
          %slice3A_252 = vector.extract_strided_slice %get3A_217 {offsets = [5], sizes = [1], strides = [1]} : vector<16xi32> to vector<1xi32>
          %squeeze3A_253 = vector.extract %slice3A_252[0] : i32 from vector<1xi32>
          %eq3A_254 = arith.constant 0 : i32
          %eq3A_255 = arith.cmpi eq, %squeeze3A_253, %eq3A_254 : i32
          %convert_element_type3A_256 = arith.extui %eq3A_255 : i1 to i32
          %cond3A_257 = arith.constant 0 : i32
          %cond3A_258 = arith.cmpi ne, %convert_element_type3A_256, %cond3A_257 : i32
          scf.if %cond3A_258 {
            %mul3A_329 = arith.constant 16 : i32
            %mul3A_330 = arith.muli %scan3A_213, %mul3A_329 : i32
            %add3A_331 = arith.constant 5 : i32
            %add3A_332 = arith.addi %mul3A_330, %add3A_331 : i32
            %swap3A = arith.index_cast %add3A_332 : i32 to index
            %swap3A_333 = arith.constant 0 : index
            %swap3A_334 = tpu.vector_load %arg7[%swap3A, %swap3A_333] {strides = array<i32>} : memref<800x64xf32, #tpu.memory_space<vmem>>, vector<1x16xf32>,
            %swap3A_335 = vector.shape_cast %swap3A_334 : vector<1x16xf32> to vector<16xf32>
            %swap3A_336 = vector.shape_cast %broadcast_in_dim3A_3 : vector<16xf32> to vector<1x16xf32>
            tpu.vector_store %arg7[%swap3A, %swap3A_333], %swap3A_336 {strides = array<i32>} : memref<800x64xf32, #tpu.memory_space<vmem>>, vector<1x16xf32>,
            %swap3A_337 = arith.index_cast %add3A_332 : i32 to index
            %swap3A_338 = arith.constant 16 : index
            %swap3A_339 = tpu.vector_load %arg7[%swap3A_337, %swap3A_338] {strides = array<i32>} : memref<800x64xf32, #tpu.memory_space<vmem>>, vector<1x16xf32>,
            %swap3A_340 = vector.shape_cast %swap3A_339 : vector<1x16xf32> to vector<16xf32>
            %swap3A_341 = vector.shape_cast %broadcast_in_dim3A_3 : vector<16xf32> to vector<1x16xf32>
            tpu.vector_store %arg7[%swap3A_337, %swap3A_338], %swap3A_341 {strides = array<i32>} : memref<800x64xf32, #tpu.memory_space<vmem>>, vector<1x16xf32>,
            %swap3A_342 = arith.index_cast %add3A_332 : i32 to index
            %swap3A_343 = arith.constant 32 : index
            %swap3A_344 = tpu.vector_load %arg7[%swap3A_342, %swap3A_343] {strides = array<i32>} : memref<800x64xf32, #tpu.memory_space<vmem>>, vector<1x16xf32>,
            %swap3A_345 = vector.shape_cast %swap3A_344 : vector<1x16xf32> to vector<16xf32>
            %swap3A_346 = vector.shape_cast %broadcast_in_dim3A_3 : vector<16xf32> to vector<1x16xf32>
            tpu.vector_store %arg7[%swap3A_342, %swap3A_343], %swap3A_346 {strides = array<i32>} : memref<800x64xf32, #tpu.memory_space<vmem>>, vector<1x16xf32>,
            %swap3A_347 = arith.index_cast %add3A_332 : i32 to index
            %swap3A_348 = arith.constant 48 : index
            %swap3A_349 = tpu.vector_load %arg7[%swap3A_347, %swap3A_348] {strides = array<i32>} : memref<800x64xf32, #tpu.memory_space<vmem>>, vector<1x16xf32>,
            %swap3A_350 = vector.shape_cast %swap3A_349 : vector<1x16xf32> to vector<16xf32>
            %swap3A_351 = vector.shape_cast %broadcast_in_dim3A_3 : vector<16xf32> to vector<1x16xf32>
            tpu.vector_store %arg7[%swap3A_347, %swap3A_348], %swap3A_351 {strides = array<i32>} : memref<800x64xf32, #tpu.memory_space<vmem>>, vector<1x16xf32>,
          } else {
          }
          %slice3A_259 = vector.extract_strided_slice %get3A_217 {offsets = [6], sizes = [1], strides = [1]} : vector<16xi32> to vector<1xi32>
          %squeeze3A_260 = vector.extract %slice3A_259[0] : i32 from vector<1xi32>
          %eq3A_261 = arith.constant 0 : i32
          %eq3A_262 = arith.cmpi eq, %squeeze3A_260, %eq3A_261 : i32
          %convert_element_type3A_263 = arith.extui %eq3A_262 : i1 to i32
          %cond3A_264 = arith.constant 0 : i32
          %cond3A_265 = arith.cmpi ne, %convert_element_type3A_263, %cond3A_264 : i32
          scf.if %cond3A_265 {
            %mul3A_329 = arith.constant 16 : i32
            %mul3A_330 = arith.muli %scan3A_213, %mul3A_329 : i32
            %add3A_331 = arith.constant 6 : i32
            %add3A_332 = arith.addi %mul3A_330, %add3A_331 : i32
            %swap3A = arith.index_cast %add3A_332 : i32 to index
            %swap3A_333 = arith.constant 0 : index
            %swap3A_334 = tpu.vector_load %arg7[%swap3A, %swap3A_333] {strides = array<i32>} : memref<800x64xf32, #tpu.memory_space<vmem>>, vector<1x16xf32>,
            %swap3A_335 = vector.shape_cast %swap3A_334 : vector<1x16xf32> to vector<16xf32>
            %swap3A_336 = vector.shape_cast %broadcast_in_dim3A_3 : vector<16xf32> to vector<1x16xf32>
            tpu.vector_store %arg7[%swap3A, %swap3A_333], %swap3A_336 {strides = array<i32>} : memref<800x64xf32, #tpu.memory_space<vmem>>, vector<1x16xf32>,
            %swap3A_337 = arith.index_cast %add3A_332 : i32 to index
            %swap3A_338 = arith.constant 16 : index
            %swap3A_339 = tpu.vector_load %arg7[%swap3A_337, %swap3A_338] {strides = array<i32>} : memref<800x64xf32, #tpu.memory_space<vmem>>, vector<1x16xf32>,
            %swap3A_340 = vector.shape_cast %swap3A_339 : vector<1x16xf32> to vector<16xf32>
            %swap3A_341 = vector.shape_cast %broadcast_in_dim3A_3 : vector<16xf32> to vector<1x16xf32>
            tpu.vector_store %arg7[%swap3A_337, %swap3A_338], %swap3A_341 {strides = array<i32>} : memref<800x64xf32, #tpu.memory_space<vmem>>, vector<1x16xf32>,
            %swap3A_342 = arith.index_cast %add3A_332 : i32 to index
            %swap3A_343 = arith.constant 32 : index
            %swap3A_344 = tpu.vector_load %arg7[%swap3A_342, %swap3A_343] {strides = array<i32>} : memref<800x64xf32, #tpu.memory_space<vmem>>, vector<1x16xf32>,
            %swap3A_345 = vector.shape_cast %swap3A_344 : vector<1x16xf32> to vector<16xf32>
            %swap3A_346 = vector.shape_cast %broadcast_in_dim3A_3 : vector<16xf32> to vector<1x16xf32>
            tpu.vector_store %arg7[%swap3A_342, %swap3A_343], %swap3A_346 {strides = array<i32>} : memref<800x64xf32, #tpu.memory_space<vmem>>, vector<1x16xf32>,
            %swap3A_347 = arith.index_cast %add3A_332 : i32 to index
            %swap3A_348 = arith.constant 48 : index
            %swap3A_349 = tpu.vector_load %arg7[%swap3A_347, %swap3A_348] {strides = array<i32>} : memref<800x64xf32, #tpu.memory_space<vmem>>, vector<1x16xf32>,
            %swap3A_350 = vector.shape_cast %swap3A_349 : vector<1x16xf32> to vector<16xf32>
            %swap3A_351 = vector.shape_cast %broadcast_in_dim3A_3 : vector<16xf32> to vector<1x16xf32>
            tpu.vector_store %arg7[%swap3A_347, %swap3A_348], %swap3A_351 {strides = array<i32>} : memref<800x64xf32, #tpu.memory_space<vmem>>, vector<1x16xf32>,
          } else {
          }
          %slice3A_266 = vector.extract_strided_slice %get3A_217 {offsets = [7], sizes = [1], strides = [1]} : vector<16xi32> to vector<1xi32>
          %squeeze3A_267 = vector.extract %slice3A_266[0] : i32 from vector<1xi32>
          %eq3A_268 = arith.constant 0 : i32
          %eq3A_269 = arith.cmpi eq, %squeeze3A_267, %eq3A_268 : i32
          %convert_element_type3A_270 = arith.extui %eq3A_269 : i1 to i32
          %cond3A_271 = arith.constant 0 : i32
          %cond3A_272 = arith.cmpi ne, %convert_element_type3A_270, %cond3A_271 : i32
          scf.if %cond3A_272 {
            %mul3A_329 = arith.constant 16 : i32
            %mul3A_330 = arith.muli %scan3A_213, %mul3A_329 : i32
            %add3A_331 = arith.constant 7 : i32
            %add3A_332 = arith.addi %mul3A_330, %add3A_331 : i32
            %swap3A = arith.index_cast %add3A_332 : i32 to index
            %swap3A_333 = arith.constant 0 : index
            %swap3A_334 = tpu.vector_load %arg7[%swap3A, %swap3A_333] {strides = array<i32>} : memref<800x64xf32, #tpu.memory_space<vmem>>, vector<1x16xf32>,
            %swap3A_335 = vector.shape_cast %swap3A_334 : vector<1x16xf32> to vector<16xf32>
            %swap3A_336 = vector.shape_cast %broadcast_in_dim3A_3 : vector<16xf32> to vector<1x16xf32>
            tpu.vector_store %arg7[%swap3A, %swap3A_333], %swap3A_336 {strides = array<i32>} : memref<800x64xf32, #tpu.memory_space<vmem>>, vector<1x16xf32>,
            %swap3A_337 = arith.index_cast %add3A_332 : i32 to index
            %swap3A_338 = arith.constant 16 : index
            %swap3A_339 = tpu.vector_load %arg7[%swap3A_337, %swap3A_338] {strides = array<i32>} : memref<800x64xf32, #tpu.memory_space<vmem>>, vector<1x16xf32>,
            %swap3A_340 = vector.shape_cast %swap3A_339 : vector<1x16xf32> to vector<16xf32>
            %swap3A_341 = vector.shape_cast %broadcast_in_dim3A_3 : vector<16xf32> to vector<1x16xf32>
            tpu.vector_store %arg7[%swap3A_337, %swap3A_338], %swap3A_341 {strides = array<i32>} : memref<800x64xf32, #tpu.memory_space<vmem>>, vector<1x16xf32>,
            %swap3A_342 = arith.index_cast %add3A_332 : i32 to index
            %swap3A_343 = arith.constant 32 : index
            %swap3A_344 = tpu.vector_load %arg7[%swap3A_342, %swap3A_343] {strides = array<i32>} : memref<800x64xf32, #tpu.memory_space<vmem>>, vector<1x16xf32>,
            %swap3A_345 = vector.shape_cast %swap3A_344 : vector<1x16xf32> to vector<16xf32>
            %swap3A_346 = vector.shape_cast %broadcast_in_dim3A_3 : vector<16xf32> to vector<1x16xf32>
            tpu.vector_store %arg7[%swap3A_342, %swap3A_343], %swap3A_346 {strides = array<i32>} : memref<800x64xf32, #tpu.memory_space<vmem>>, vector<1x16xf32>,
            %swap3A_347 = arith.index_cast %add3A_332 : i32 to index
            %swap3A_348 = arith.constant 48 : index
            %swap3A_349 = tpu.vector_load %arg7[%swap3A_347, %swap3A_348] {strides = array<i32>} : memref<800x64xf32, #tpu.memory_space<vmem>>, vector<1x16xf32>,
            %swap3A_350 = vector.shape_cast %swap3A_349 : vector<1x16xf32> to vector<16xf32>
            %swap3A_351 = vector.shape_cast %broadcast_in_dim3A_3 : vector<16xf32> to vector<1x16xf32>
            tpu.vector_store %arg7[%swap3A_347, %swap3A_348], %swap3A_351 {strides = array<i32>} : memref<800x64xf32, #tpu.memory_space<vmem>>, vector<1x16xf32>,
          } else {
          }
          %slice3A_273 = vector.extract_strided_slice %get3A_217 {offsets = [8], sizes = [1], strides = [1]} : vector<16xi32> to vector<1xi32>
          %squeeze3A_274 = vector.extract %slice3A_273[0] : i32 from vector<1xi32>
          %eq3A_275 = arith.constant 0 : i32
          %eq3A_276 = arith.cmpi eq, %squeeze3A_274, %eq3A_275 : i32
          %convert_element_type3A_277 = arith.extui %eq3A_276 : i1 to i32
          %cond3A_278 = arith.constant 0 : i32
          %cond3A_279 = arith.cmpi ne, %convert_element_type3A_277, %cond3A_278 : i32
          scf.if %cond3A_279 {
            %mul3A_329 = arith.constant 16 : i32
            %mul3A_330 = arith.muli %scan3A_213, %mul3A_329 : i32
            %add3A_331 = arith.constant 8 : i32
            %add3A_332 = arith.addi %mul3A_330, %add3A_331 : i32
            %swap3A = arith.index_cast %add3A_332 : i32 to index
            %swap3A_333 = arith.constant 0 : index
            %swap3A_334 = tpu.vector_load %arg7[%swap3A, %swap3A_333] {strides = array<i32>} : memref<800x64xf32, #tpu.memory_space<vmem>>, vector<1x16xf32>,
            %swap3A_335 = vector.shape_cast %swap3A_334 : vector<1x16xf32> to vector<16xf32>
            %swap3A_336 = vector.shape_cast %broadcast_in_dim3A_3 : vector<16xf32> to vector<1x16xf32>
            tpu.vector_store %arg7[%swap3A, %swap3A_333], %swap3A_336 {strides = array<i32>} : memref<800x64xf32, #tpu.memory_space<vmem>>, vector<1x16xf32>,
            %swap3A_337 = arith.index_cast %add3A_332 : i32 to index
            %swap3A_338 = arith.constant 16 : index
            %swap3A_339 = tpu.vector_load %arg7[%swap3A_337, %swap3A_338] {strides = array<i32>} : memref<800x64xf32, #tpu.memory_space<vmem>>, vector<1x16xf32>,
            %swap3A_340 = vector.shape_cast %swap3A_339 : vector<1x16xf32> to vector<16xf32>
            %swap3A_341 = vector.shape_cast %broadcast_in_dim3A_3 : vector<16xf32> to vector<1x16xf32>
            tpu.vector_store %arg7[%swap3A_337, %swap3A_338], %swap3A_341 {strides = array<i32>} : memref<800x64xf32, #tpu.memory_space<vmem>>, vector<1x16xf32>,
            %swap3A_342 = arith.index_cast %add3A_332 : i32 to index
            %swap3A_343 = arith.constant 32 : index
            %swap3A_344 = tpu.vector_load %arg7[%swap3A_342, %swap3A_343] {strides = array<i32>} : memref<800x64xf32, #tpu.memory_space<vmem>>, vector<1x16xf32>,
            %swap3A_345 = vector.shape_cast %swap3A_344 : vector<1x16xf32> to vector<16xf32>
            %swap3A_346 = vector.shape_cast %broadcast_in_dim3A_3 : vector<16xf32> to vector<1x16xf32>
            tpu.vector_store %arg7[%swap3A_342, %swap3A_343], %swap3A_346 {strides = array<i32>} : memref<800x64xf32, #tpu.memory_space<vmem>>, vector<1x16xf32>,
            %swap3A_347 = arith.index_cast %add3A_332 : i32 to index
            %swap3A_348 = arith.constant 48 : index
            %swap3A_349 = tpu.vector_load %arg7[%swap3A_347, %swap3A_348] {strides = array<i32>} : memref<800x64xf32, #tpu.memory_space<vmem>>, vector<1x16xf32>,
            %swap3A_350 = vector.shape_cast %swap3A_349 : vector<1x16xf32> to vector<16xf32>
            %swap3A_351 = vector.shape_cast %broadcast_in_dim3A_3 : vector<16xf32> to vector<1x16xf32>
            tpu.vector_store %arg7[%swap3A_347, %swap3A_348], %swap3A_351 {strides = array<i32>} : memref<800x64xf32, #tpu.memory_space<vmem>>, vector<1x16xf32>,
          } else {
          }
          %slice3A_280 = vector.extract_strided_slice %get3A_217 {offsets = [9], sizes = [1], strides = [1]} : vector<16xi32> to vector<1xi32>
          %squeeze3A_281 = vector.extract %slice3A_280[0] : i32 from vector<1xi32>
          %eq3A_282 = arith.constant 0 : i32
          %eq3A_283 = arith.cmpi eq, %squeeze3A_281, %eq3A_282 : i32
          %convert_element_type3A_284 = arith.extui %eq3A_283 : i1 to i32
          %cond3A_285 = arith.constant 0 : i32
          %cond3A_286 = arith.cmpi ne, %convert_element_type3A_284, %cond3A_285 : i32
          scf.if %cond3A_286 {
            %mul3A_329 = arith.constant 16 : i32
            %mul3A_330 = arith.muli %scan3A_213, %mul3A_329 : i32
            %add3A_331 = arith.constant 9 : i32
            %add3A_332 = arith.addi %mul3A_330, %add3A_331 : i32
            %swap3A = arith.index_cast %add3A_332 : i32 to index
            %swap3A_333 = arith.constant 0 : index
            %swap3A_334 = tpu.vector_load %arg7[%swap3A, %swap3A_333] {strides = array<i32>} : memref<800x64xf32, #tpu.memory_space<vmem>>, vector<1x16xf32>,
            %swap3A_335 = vector.shape_cast %swap3A_334 : vector<1x16xf32> to vector<16xf32>
            %swap3A_336 = vector.shape_cast %broadcast_in_dim3A_3 : vector<16xf32> to vector<1x16xf32>
            tpu.vector_store %arg7[%swap3A, %swap3A_333], %swap3A_336 {strides = array<i32>} : memref<800x64xf32, #tpu.memory_space<vmem>>, vector<1x16xf32>,
            %swap3A_337 = arith.index_cast %add3A_332 : i32 to index
            %swap3A_338 = arith.constant 16 : index
            %swap3A_339 = tpu.vector_load %arg7[%swap3A_337, %swap3A_338] {strides = array<i32>} : memref<800x64xf32, #tpu.memory_space<vmem>>, vector<1x16xf32>,
            %swap3A_340 = vector.shape_cast %swap3A_339 : vector<1x16xf32> to vector<16xf32>
            %swap3A_341 = vector.shape_cast %broadcast_in_dim3A_3 : vector<16xf32> to vector<1x16xf32>
            tpu.vector_store %arg7[%swap3A_337, %swap3A_338], %swap3A_341 {strides = array<i32>} : memref<800x64xf32, #tpu.memory_space<vmem>>, vector<1x16xf32>,
            %swap3A_342 = arith.index_cast %add3A_332 : i32 to index
            %swap3A_343 = arith.constant 32 : index
            %swap3A_344 = tpu.vector_load %arg7[%swap3A_342, %swap3A_343] {strides = array<i32>} : memref<800x64xf32, #tpu.memory_space<vmem>>, vector<1x16xf32>,
            %swap3A_345 = vector.shape_cast %swap3A_344 : vector<1x16xf32> to vector<16xf32>
            %swap3A_346 = vector.shape_cast %broadcast_in_dim3A_3 : vector<16xf32> to vector<1x16xf32>
            tpu.vector_store %arg7[%swap3A_342, %swap3A_343], %swap3A_346 {strides = array<i32>} : memref<800x64xf32, #tpu.memory_space<vmem>>, vector<1x16xf32>,
            %swap3A_347 = arith.index_cast %add3A_332 : i32 to index
            %swap3A_348 = arith.constant 48 : index
            %swap3A_349 = tpu.vector_load %arg7[%swap3A_347, %swap3A_348] {strides = array<i32>} : memref<800x64xf32, #tpu.memory_space<vmem>>, vector<1x16xf32>,
            %swap3A_350 = vector.shape_cast %swap3A_349 : vector<1x16xf32> to vector<16xf32>
            %swap3A_351 = vector.shape_cast %broadcast_in_dim3A_3 : vector<16xf32> to vector<1x16xf32>
            tpu.vector_store %arg7[%swap3A_347, %swap3A_348], %swap3A_351 {strides = array<i32>} : memref<800x64xf32, #tpu.memory_space<vmem>>, vector<1x16xf32>,
          } else {
          }
          %slice3A_287 = vector.extract_strided_slice %get3A_217 {offsets = [10], sizes = [1], strides = [1]} : vector<16xi32> to vector<1xi32>
          %squeeze3A_288 = vector.extract %slice3A_287[0] : i32 from vector<1xi32>
          %eq3A_289 = arith.constant 0 : i32
          %eq3A_290 = arith.cmpi eq, %squeeze3A_288, %eq3A_289 : i32
          %convert_element_type3A_291 = arith.extui %eq3A_290 : i1 to i32
          %cond3A_292 = arith.constant 0 : i32
          %cond3A_293 = arith.cmpi ne, %convert_element_type3A_291, %cond3A_292 : i32
          scf.if %cond3A_293 {
            %mul3A_329 = arith.constant 16 : i32
            %mul3A_330 = arith.muli %scan3A_213, %mul3A_329 : i32
            %add3A_331 = arith.constant 10 : i32
            %add3A_332 = arith.addi %mul3A_330, %add3A_331 : i32
            %swap3A = arith.index_cast %add3A_332 : i32 to index
            %swap3A_333 = arith.constant 0 : index
            %swap3A_334 = tpu.vector_load %arg7[%swap3A, %swap3A_333] {strides = array<i32>} : memref<800x64xf32, #tpu.memory_space<vmem>>, vector<1x16xf32>,
            %swap3A_335 = vector.shape_cast %swap3A_334 : vector<1x16xf32> to vector<16xf32>
            %swap3A_336 = vector.shape_cast %broadcast_in_dim3A_3 : vector<16xf32> to vector<1x16xf32>
            tpu.vector_store %arg7[%swap3A, %swap3A_333], %swap3A_336 {strides = array<i32>} : memref<800x64xf32, #tpu.memory_space<vmem>>, vector<1x16xf32>,
            %swap3A_337 = arith.index_cast %add3A_332 : i32 to index
            %swap3A_338 = arith.constant 16 : index
            %swap3A_339 = tpu.vector_load %arg7[%swap3A_337, %swap3A_338] {strides = array<i32>} : memref<800x64xf32, #tpu.memory_space<vmem>>, vector<1x16xf32>,
            %swap3A_340 = vector.shape_cast %swap3A_339 : vector<1x16xf32> to vector<16xf32>
            %swap3A_341 = vector.shape_cast %broadcast_in_dim3A_3 : vector<16xf32> to vector<1x16xf32>
            tpu.vector_store %arg7[%swap3A_337, %swap3A_338], %swap3A_341 {strides = array<i32>} : memref<800x64xf32, #tpu.memory_space<vmem>>, vector<1x16xf32>,
            %swap3A_342 = arith.index_cast %add3A_332 : i32 to index
            %swap3A_343 = arith.constant 32 : index
            %swap3A_344 = tpu.vector_load %arg7[%swap3A_342, %swap3A_343] {strides = array<i32>} : memref<800x64xf32, #tpu.memory_space<vmem>>, vector<1x16xf32>,
            %swap3A_345 = vector.shape_cast %swap3A_344 : vector<1x16xf32> to vector<16xf32>
            %swap3A_346 = vector.shape_cast %broadcast_in_dim3A_3 : vector<16xf32> to vector<1x16xf32>
            tpu.vector_store %arg7[%swap3A_342, %swap3A_343], %swap3A_346 {strides = array<i32>} : memref<800x64xf32, #tpu.memory_space<vmem>>, vector<1x16xf32>,
            %swap3A_347 = arith.index_cast %add3A_332 : i32 to index
            %swap3A_348 = arith.constant 48 : index
            %swap3A_349 = tpu.vector_load %arg7[%swap3A_347, %swap3A_348] {strides = array<i32>} : memref<800x64xf32, #tpu.memory_space<vmem>>, vector<1x16xf32>,
            %swap3A_350 = vector.shape_cast %swap3A_349 : vector<1x16xf32> to vector<16xf32>
            %swap3A_351 = vector.shape_cast %broadcast_in_dim3A_3 : vector<16xf32> to vector<1x16xf32>
            tpu.vector_store %arg7[%swap3A_347, %swap3A_348], %swap3A_351 {strides = array<i32>} : memref<800x64xf32, #tpu.memory_space<vmem>>, vector<1x16xf32>,
          } else {
          }
          %slice3A_294 = vector.extract_strided_slice %get3A_217 {offsets = [11], sizes = [1], strides = [1]} : vector<16xi32> to vector<1xi32>
          %squeeze3A_295 = vector.extract %slice3A_294[0] : i32 from vector<1xi32>
          %eq3A_296 = arith.constant 0 : i32
          %eq3A_297 = arith.cmpi eq, %squeeze3A_295, %eq3A_296 : i32
          %convert_element_type3A_298 = arith.extui %eq3A_297 : i1 to i32
          %cond3A_299 = arith.constant 0 : i32
          %cond3A_300 = arith.cmpi ne, %convert_element_type3A_298, %cond3A_299 : i32
          scf.if %cond3A_300 {
            %mul3A_329 = arith.constant 16 : i32
            %mul3A_330 = arith.muli %scan3A_213, %mul3A_329 : i32
            %add3A_331 = arith.constant 11 : i32
            %add3A_332 = arith.addi %mul3A_330, %add3A_331 : i32
            %swap3A = arith.index_cast %add3A_332 : i32 to index
            %swap3A_333 = arith.constant 0 : index
            %swap3A_334 = tpu.vector_load %arg7[%swap3A, %swap3A_333] {strides = array<i32>} : memref<800x64xf32, #tpu.memory_space<vmem>>, vector<1x16xf32>,
            %swap3A_335 = vector.shape_cast %swap3A_334 : vector<1x16xf32> to vector<16xf32>
            %swap3A_336 = vector.shape_cast %broadcast_in_dim3A_3 : vector<16xf32> to vector<1x16xf32>
            tpu.vector_store %arg7[%swap3A, %swap3A_333], %swap3A_336 {strides = array<i32>} : memref<800x64xf32, #tpu.memory_space<vmem>>, vector<1x16xf32>,
            %swap3A_337 = arith.index_cast %add3A_332 : i32 to index
            %swap3A_338 = arith.constant 16 : index
            %swap3A_339 = tpu.vector_load %arg7[%swap3A_337, %swap3A_338] {strides = array<i32>} : memref<800x64xf32, #tpu.memory_space<vmem>>, vector<1x16xf32>,
            %swap3A_340 = vector.shape_cast %swap3A_339 : vector<1x16xf32> to vector<16xf32>
            %swap3A_341 = vector.shape_cast %broadcast_in_dim3A_3 : vector<16xf32> to vector<1x16xf32>
            tpu.vector_store %arg7[%swap3A_337, %swap3A_338], %swap3A_341 {strides = array<i32>} : memref<800x64xf32, #tpu.memory_space<vmem>>, vector<1x16xf32>,
            %swap3A_342 = arith.index_cast %add3A_332 : i32 to index
            %swap3A_343 = arith.constant 32 : index
            %swap3A_344 = tpu.vector_load %arg7[%swap3A_342, %swap3A_343] {strides = array<i32>} : memref<800x64xf32, #tpu.memory_space<vmem>>, vector<1x16xf32>,
            %swap3A_345 = vector.shape_cast %swap3A_344 : vector<1x16xf32> to vector<16xf32>
            %swap3A_346 = vector.shape_cast %broadcast_in_dim3A_3 : vector<16xf32> to vector<1x16xf32>
            tpu.vector_store %arg7[%swap3A_342, %swap3A_343], %swap3A_346 {strides = array<i32>} : memref<800x64xf32, #tpu.memory_space<vmem>>, vector<1x16xf32>,
            %swap3A_347 = arith.index_cast %add3A_332 : i32 to index
            %swap3A_348 = arith.constant 48 : index
            %swap3A_349 = tpu.vector_load %arg7[%swap3A_347, %swap3A_348] {strides = array<i32>} : memref<800x64xf32, #tpu.memory_space<vmem>>, vector<1x16xf32>,
            %swap3A_350 = vector.shape_cast %swap3A_349 : vector<1x16xf32> to vector<16xf32>
            %swap3A_351 = vector.shape_cast %broadcast_in_dim3A_3 : vector<16xf32> to vector<1x16xf32>
            tpu.vector_store %arg7[%swap3A_347, %swap3A_348], %swap3A_351 {strides = array<i32>} : memref<800x64xf32, #tpu.memory_space<vmem>>, vector<1x16xf32>,
          } else {
          }
          %slice3A_301 = vector.extract_strided_slice %get3A_217 {offsets = [12], sizes = [1], strides = [1]} : vector<16xi32> to vector<1xi32>
          %squeeze3A_302 = vector.extract %slice3A_301[0] : i32 from vector<1xi32>
          %eq3A_303 = arith.constant 0 : i32
          %eq3A_304 = arith.cmpi eq, %squeeze3A_302, %eq3A_303 : i32
          %convert_element_type3A_305 = arith.extui %eq3A_304 : i1 to i32
          %cond3A_306 = arith.constant 0 : i32
          %cond3A_307 = arith.cmpi ne, %convert_element_type3A_305, %cond3A_306 : i32
          scf.if %cond3A_307 {
            %mul3A_329 = arith.constant 16 : i32
            %mul3A_330 = arith.muli %scan3A_213, %mul3A_329 : i32
            %add3A_331 = arith.constant 12 : i32
            %add3A_332 = arith.addi %mul3A_330, %add3A_331 : i32
            %swap3A = arith.index_cast %add3A_332 : i32 to index
            %swap3A_333 = arith.constant 0 : index
            %swap3A_334 = tpu.vector_load %arg7[%swap3A, %swap3A_333] {strides = array<i32>} : memref<800x64xf32, #tpu.memory_space<vmem>>, vector<1x16xf32>,
            %swap3A_335 = vector.shape_cast %swap3A_334 : vector<1x16xf32> to vector<16xf32>
            %swap3A_336 = vector.shape_cast %broadcast_in_dim3A_3 : vector<16xf32> to vector<1x16xf32>
            tpu.vector_store %arg7[%swap3A, %swap3A_333], %swap3A_336 {strides = array<i32>} : memref<800x64xf32, #tpu.memory_space<vmem>>, vector<1x16xf32>,
            %swap3A_337 = arith.index_cast %add3A_332 : i32 to index
            %swap3A_338 = arith.constant 16 : index
            %swap3A_339 = tpu.vector_load %arg7[%swap3A_337, %swap3A_338] {strides = array<i32>} : memref<800x64xf32, #tpu.memory_space<vmem>>, vector<1x16xf32>,
            %swap3A_340 = vector.shape_cast %swap3A_339 : vector<1x16xf32> to vector<16xf32>
            %swap3A_341 = vector.shape_cast %broadcast_in_dim3A_3 : vector<16xf32> to vector<1x16xf32>
            tpu.vector_store %arg7[%swap3A_337, %swap3A_338], %swap3A_341 {strides = array<i32>} : memref<800x64xf32, #tpu.memory_space<vmem>>, vector<1x16xf32>,
            %swap3A_342 = arith.index_cast %add3A_332 : i32 to index
            %swap3A_343 = arith.constant 32 : index
            %swap3A_344 = tpu.vector_load %arg7[%swap3A_342, %swap3A_343] {strides = array<i32>} : memref<800x64xf32, #tpu.memory_space<vmem>>, vector<1x16xf32>,
            %swap3A_345 = vector.shape_cast %swap3A_344 : vector<1x16xf32> to vector<16xf32>
            %swap3A_346 = vector.shape_cast %broadcast_in_dim3A_3 : vector<16xf32> to vector<1x16xf32>
            tpu.vector_store %arg7[%swap3A_342, %swap3A_343], %swap3A_346 {strides = array<i32>} : memref<800x64xf32, #tpu.memory_space<vmem>>, vector<1x16xf32>,
            %swap3A_347 = arith.index_cast %add3A_332 : i32 to index
            %swap3A_348 = arith.constant 48 : index
            %swap3A_349 = tpu.vector_load %arg7[%swap3A_347, %swap3A_348] {strides = array<i32>} : memref<800x64xf32, #tpu.memory_space<vmem>>, vector<1x16xf32>,
            %swap3A_350 = vector.shape_cast %swap3A_349 : vector<1x16xf32> to vector<16xf32>
            %swap3A_351 = vector.shape_cast %broadcast_in_dim3A_3 : vector<16xf32> to vector<1x16xf32>
            tpu.vector_store %arg7[%swap3A_347, %swap3A_348], %swap3A_351 {strides = array<i32>} : memref<800x64xf32, #tpu.memory_space<vmem>>, vector<1x16xf32>,
          } else {
          }
          %slice3A_308 = vector.extract_strided_slice %get3A_217 {offsets = [13], sizes = [1], strides = [1]} : vector<16xi32> to vector<1xi32>
          %squeeze3A_309 = vector.extract %slice3A_308[0] : i32 from vector<1xi32>
          %eq3A_310 = arith.constant 0 : i32
          %eq3A_311 = arith.cmpi eq, %squeeze3A_309, %eq3A_310 : i32
          %convert_element_type3A_312 = arith.extui %eq3A_311 : i1 to i32
          %cond3A_313 = arith.constant 0 : i32
          %cond3A_314 = arith.cmpi ne, %convert_element_type3A_312, %cond3A_313 : i32
          scf.if %cond3A_314 {
            %mul3A_329 = arith.constant 16 : i32
            %mul3A_330 = arith.muli %scan3A_213, %mul3A_329 : i32
            %add3A_331 = arith.constant 13 : i32
            %add3A_332 = arith.addi %mul3A_330, %add3A_331 : i32
            %swap3A = arith.index_cast %add3A_332 : i32 to index
            %swap3A_333 = arith.constant 0 : index
            %swap3A_334 = tpu.vector_load %arg7[%swap3A, %swap3A_333] {strides = array<i32>} : memref<800x64xf32, #tpu.memory_space<vmem>>, vector<1x16xf32>,
            %swap3A_335 = vector.shape_cast %swap3A_334 : vector<1x16xf32> to vector<16xf32>
            %swap3A_336 = vector.shape_cast %broadcast_in_dim3A_3 : vector<16xf32> to vector<1x16xf32>
            tpu.vector_store %arg7[%swap3A, %swap3A_333], %swap3A_336 {strides = array<i32>} : memref<800x64xf32, #tpu.memory_space<vmem>>, vector<1x16xf32>,
            %swap3A_337 = arith.index_cast %add3A_332 : i32 to index
            %swap3A_338 = arith.constant 16 : index
            %swap3A_339 = tpu.vector_load %arg7[%swap3A_337, %swap3A_338] {strides = array<i32>} : memref<800x64xf32, #tpu.memory_space<vmem>>, vector<1x16xf32>,
            %swap3A_340 = vector.shape_cast %swap3A_339 : vector<1x16xf32> to vector<16xf32>
            %swap3A_341 = vector.shape_cast %broadcast_in_dim3A_3 : vector<16xf32> to vector<1x16xf32>
            tpu.vector_store %arg7[%swap3A_337, %swap3A_338], %swap3A_341 {strides = array<i32>} : memref<800x64xf32, #tpu.memory_space<vmem>>, vector<1x16xf32>,
            %swap3A_342 = arith.index_cast %add3A_332 : i32 to index
            %swap3A_343 = arith.constant 32 : index
            %swap3A_344 = tpu.vector_load %arg7[%swap3A_342, %swap3A_343] {strides = array<i32>} : memref<800x64xf32, #tpu.memory_space<vmem>>, vector<1x16xf32>,
            %swap3A_345 = vector.shape_cast %swap3A_344 : vector<1x16xf32> to vector<16xf32>
            %swap3A_346 = vector.shape_cast %broadcast_in_dim3A_3 : vector<16xf32> to vector<1x16xf32>
            tpu.vector_store %arg7[%swap3A_342, %swap3A_343], %swap3A_346 {strides = array<i32>} : memref<800x64xf32, #tpu.memory_space<vmem>>, vector<1x16xf32>,
            %swap3A_347 = arith.index_cast %add3A_332 : i32 to index
            %swap3A_348 = arith.constant 48 : index
            %swap3A_349 = tpu.vector_load %arg7[%swap3A_347, %swap3A_348] {strides = array<i32>} : memref<800x64xf32, #tpu.memory_space<vmem>>, vector<1x16xf32>,
            %swap3A_350 = vector.shape_cast %swap3A_349 : vector<1x16xf32> to vector<16xf32>
            %swap3A_351 = vector.shape_cast %broadcast_in_dim3A_3 : vector<16xf32> to vector<1x16xf32>
            tpu.vector_store %arg7[%swap3A_347, %swap3A_348], %swap3A_351 {strides = array<i32>} : memref<800x64xf32, #tpu.memory_space<vmem>>, vector<1x16xf32>,
          } else {
          }
          %slice3A_315 = vector.extract_strided_slice %get3A_217 {offsets = [14], sizes = [1], strides = [1]} : vector<16xi32> to vector<1xi32>
          %squeeze3A_316 = vector.extract %slice3A_315[0] : i32 from vector<1xi32>
          %eq3A_317 = arith.constant 0 : i32
          %eq3A_318 = arith.cmpi eq, %squeeze3A_316, %eq3A_317 : i32
          %convert_element_type3A_319 = arith.extui %eq3A_318 : i1 to i32
          %cond3A_320 = arith.constant 0 : i32
          %cond3A_321 = arith.cmpi ne, %convert_element_type3A_319, %cond3A_320 : i32
          scf.if %cond3A_321 {
            %mul3A_329 = arith.constant 16 : i32
            %mul3A_330 = arith.muli %scan3A_213, %mul3A_329 : i32
            %add3A_331 = arith.constant 14 : i32
            %add3A_332 = arith.addi %mul3A_330, %add3A_331 : i32
            %swap3A = arith.index_cast %add3A_332 : i32 to index
            %swap3A_333 = arith.constant 0 : index
            %swap3A_334 = tpu.vector_load %arg7[%swap3A, %swap3A_333] {strides = array<i32>} : memref<800x64xf32, #tpu.memory_space<vmem>>, vector<1x16xf32>,
            %swap3A_335 = vector.shape_cast %swap3A_334 : vector<1x16xf32> to vector<16xf32>
            %swap3A_336 = vector.shape_cast %broadcast_in_dim3A_3 : vector<16xf32> to vector<1x16xf32>
            tpu.vector_store %arg7[%swap3A, %swap3A_333], %swap3A_336 {strides = array<i32>} : memref<800x64xf32, #tpu.memory_space<vmem>>, vector<1x16xf32>,
            %swap3A_337 = arith.index_cast %add3A_332 : i32 to index
            %swap3A_338 = arith.constant 16 : index
            %swap3A_339 = tpu.vector_load %arg7[%swap3A_337, %swap3A_338] {strides = array<i32>} : memref<800x64xf32, #tpu.memory_space<vmem>>, vector<1x16xf32>,
            %swap3A_340 = vector.shape_cast %swap3A_339 : vector<1x16xf32> to vector<16xf32>
            %swap3A_341 = vector.shape_cast %broadcast_in_dim3A_3 : vector<16xf32> to vector<1x16xf32>
            tpu.vector_store %arg7[%swap3A_337, %swap3A_338], %swap3A_341 {strides = array<i32>} : memref<800x64xf32, #tpu.memory_space<vmem>>, vector<1x16xf32>,
            %swap3A_342 = arith.index_cast %add3A_332 : i32 to index
            %swap3A_343 = arith.constant 32 : index
            %swap3A_344 = tpu.vector_load %arg7[%swap3A_342, %swap3A_343] {strides = array<i32>} : memref<800x64xf32, #tpu.memory_space<vmem>>, vector<1x16xf32>,
            %swap3A_345 = vector.shape_cast %swap3A_344 : vector<1x16xf32> to vector<16xf32>
            %swap3A_346 = vector.shape_cast %broadcast_in_dim3A_3 : vector<16xf32> to vector<1x16xf32>
            tpu.vector_store %arg7[%swap3A_342, %swap3A_343], %swap3A_346 {strides = array<i32>} : memref<800x64xf32, #tpu.memory_space<vmem>>, vector<1x16xf32>,
            %swap3A_347 = arith.index_cast %add3A_332 : i32 to index
            %swap3A_348 = arith.constant 48 : index
            %swap3A_349 = tpu.vector_load %arg7[%swap3A_347, %swap3A_348] {strides = array<i32>} : memref<800x64xf32, #tpu.memory_space<vmem>>, vector<1x16xf32>,
            %swap3A_350 = vector.shape_cast %swap3A_349 : vector<1x16xf32> to vector<16xf32>
            %swap3A_351 = vector.shape_cast %broadcast_in_dim3A_3 : vector<16xf32> to vector<1x16xf32>
            tpu.vector_store %arg7[%swap3A_347, %swap3A_348], %swap3A_351 {strides = array<i32>} : memref<800x64xf32, #tpu.memory_space<vmem>>, vector<1x16xf32>,
          } else {
          }
          %slice3A_322 = vector.extract_strided_slice %get3A_217 {offsets = [15], sizes = [1], strides = [1]} : vector<16xi32> to vector<1xi32>
          %squeeze3A_323 = vector.extract %slice3A_322[0] : i32 from vector<1xi32>
          %eq3A_324 = arith.constant 0 : i32
          %eq3A_325 = arith.cmpi eq, %squeeze3A_323, %eq3A_324 : i32
          %convert_element_type3A_326 = arith.extui %eq3A_325 : i1 to i32
          %cond3A_327 = arith.constant 0 : i32
          %cond3A_328 = arith.cmpi ne, %convert_element_type3A_326, %cond3A_327 : i32
          scf.if %cond3A_328 {
            %mul3A_329 = arith.constant 16 : i32
            %mul3A_330 = arith.muli %scan3A_213, %mul3A_329 : i32
            %add3A_331 = arith.constant 15 : i32
            %add3A_332 = arith.addi %mul3A_330, %add3A_331 : i32
            %swap3A = arith.index_cast %add3A_332 : i32 to index
            %swap3A_333 = arith.constant 0 : index
            %swap3A_334 = tpu.vector_load %arg7[%swap3A, %swap3A_333] {strides = array<i32>} : memref<800x64xf32, #tpu.memory_space<vmem>>, vector<1x16xf32>,
            %swap3A_335 = vector.shape_cast %swap3A_334 : vector<1x16xf32> to vector<16xf32>
            %swap3A_336 = vector.shape_cast %broadcast_in_dim3A_3 : vector<16xf32> to vector<1x16xf32>
            tpu.vector_store %arg7[%swap3A, %swap3A_333], %swap3A_336 {strides = array<i32>} : memref<800x64xf32, #tpu.memory_space<vmem>>, vector<1x16xf32>,
            %swap3A_337 = arith.index_cast %add3A_332 : i32 to index
            %swap3A_338 = arith.constant 16 : index
            %swap3A_339 = tpu.vector_load %arg7[%swap3A_337, %swap3A_338] {strides = array<i32>} : memref<800x64xf32, #tpu.memory_space<vmem>>, vector<1x16xf32>,
            %swap3A_340 = vector.shape_cast %swap3A_339 : vector<1x16xf32> to vector<16xf32>
            %swap3A_341 = vector.shape_cast %broadcast_in_dim3A_3 : vector<16xf32> to vector<1x16xf32>
            tpu.vector_store %arg7[%swap3A_337, %swap3A_338], %swap3A_341 {strides = array<i32>} : memref<800x64xf32, #tpu.memory_space<vmem>>, vector<1x16xf32>,
            %swap3A_342 = arith.index_cast %add3A_332 : i32 to index
            %swap3A_343 = arith.constant 32 : index
            %swap3A_344 = tpu.vector_load %arg7[%swap3A_342, %swap3A_343] {strides = array<i32>} : memref<800x64xf32, #tpu.memory_space<vmem>>, vector<1x16xf32>,
            %swap3A_345 = vector.shape_cast %swap3A_344 : vector<1x16xf32> to vector<16xf32>
            %swap3A_346 = vector.shape_cast %broadcast_in_dim3A_3 : vector<16xf32> to vector<1x16xf32>
            tpu.vector_store %arg7[%swap3A_342, %swap3A_343], %swap3A_346 {strides = array<i32>} : memref<800x64xf32, #tpu.memory_space<vmem>>, vector<1x16xf32>,
            %swap3A_347 = arith.index_cast %add3A_332 : i32 to index
            %swap3A_348 = arith.constant 48 : index
            %swap3A_349 = tpu.vector_load %arg7[%swap3A_347, %swap3A_348] {strides = array<i32>} : memref<800x64xf32, #tpu.memory_space<vmem>>, vector<1x16xf32>,
            %swap3A_350 = vector.shape_cast %swap3A_349 : vector<1x16xf32> to vector<16xf32>
            %swap3A_351 = vector.shape_cast %broadcast_in_dim3A_3 : vector<16xf32> to vector<1x16xf32>
            tpu.vector_store %arg7[%swap3A_347, %swap3A_348], %swap3A_351 {strides = array<i32>} : memref<800x64xf32, #tpu.memory_space<vmem>>, vector<1x16xf32>,
          } else {
          }
        }
        %scan3A_212 = arith.constant 50 : i32
      } else {
      }
      %ge3A = arith.constant 1 : i32
      %ge3A_90 = arith.cmpi sge, %add3A_32, %ge3A : i32
      %convert_element_type3A_91 = arith.extui %ge3A_90 : i1 to i32
      %cond3A_92 = arith.constant 0 : i32
      %cond3A_93 = arith.cmpi ne, %convert_element_type3A_91, %cond3A_92 : i32
      scf.if %cond3A_93 {
        %dma_wait3A_207 = arith.constant 0 : i32
        %dma_wait3A_208 = arith.constant 0 : i32
        %dma_wait3A_209 = tpu.memref_slice %arg4[%dma_wait3A_207, %dma_wait3A_208] : memref<819200x64xf32, #tpu.memory_space<hbm>> -> memref<800x64xf32, #tpu.memory_space<hbm>>
        %dma_wait3A_210 = arith.constant 0 : i32
        %dma_wait3A_211 = arith.constant 0 : i32
        %dma_wait3A_212 = tpu.memref_slice %arg4[%dma_wait3A_210, %dma_wait3A_211] : memref<819200x64xf32, #tpu.memory_space<hbm>> -> memref<800x64xf32, #tpu.memory_space<hbm>>
        tpu.wait_dma2 semaphore(%arg14 : memref<!tpu.dma_semaphore, #tpu.memory_space<semaphore_mem>>) src(%arg8 : memref<800x64xf32, #tpu.memory_space<vmem>>) dst(%dma_wait3A_212 : memref<800x64xf32, #tpu.memory_space<hbm>>)
      } else {
      }
      %mul3A_94 = arith.constant 800 : i32
      %mul3A_95 = arith.muli %add3A_32, %mul3A_94 : i32
      %add3A_96 = arith.addi %mul3A_2, %mul3A_95 : i32
      %dma_start3A_97 = arith.constant 0 : i32
      %dma_start3A_98 = tpu.memref_slice %arg4[%add3A_96, %dma_start3A_97] : memref<819200x64xf32, #tpu.memory_space<hbm>> -> memref<800x64xf32, #tpu.memory_space<hbm>>
      %dma_start3A_99 = arith.constant 0 : i32
      %dma_start3A_100 = tpu.memref_slice %arg4[%add3A_96, %dma_start3A_99] : memref<819200x64xf32, #tpu.memory_space<hbm>> -> memref<800x64xf32, #tpu.memory_space<hbm>>
      tpu.enqueue_dma source(%arg7 : memref<800x64xf32, #tpu.memory_space<vmem>>) target(%dma_start3A_100 : memref<800x64xf32, #tpu.memory_space<hbm>>) target_semaphore(%arg13 : memref<!tpu.dma_semaphore, #tpu.memory_space<semaphore_mem>>)
      %add3A_101 = arith.constant 1 : i32
      %add3A_102 = arith.addi %add3A_32, %add3A_101 : i32
      %lt3A = arith.constant 32 : i32
      %lt3A_103 = arith.cmpi slt, %add3A_102, %lt3A : i32
      %convert_element_type3A_104 = arith.extui %lt3A_103 : i1 to i32
      %cond3A_105 = arith.constant 0 : i32
      %cond3A_106 = arith.cmpi ne, %convert_element_type3A_104, %cond3A_105 : i32
      scf.if %cond3A_106 {
        %dma_wait3A_207 = arith.constant 0 : i32
        %dma_wait3A_208 = tpu.memref_slice %arg2[%dma_wait3A_207] : memref<819200xi32, #tpu.memory_space<hbm>> -> memref<800xi32, #tpu.memory_space<hbm>>
        %dma_wait3A_209 = arith.constant 0 : i32
        %dma_wait3A_210 = tpu.memref_slice %arg2[%dma_wait3A_209] : memref<819200xi32, #tpu.memory_space<hbm>> -> memref<800xi32, #tpu.memory_space<hbm>>
        tpu.wait_dma2 semaphore(%arg10 : memref<!tpu.dma_semaphore, #tpu.memory_space<semaphore_mem>>) src(%dma_wait3A_210 : memref<800xi32, #tpu.memory_space<hbm>>) dst(%arg6 : memref<800xi32, #tpu.memory_space<vmem>>)
        %dma_start3A_211 = arith.constant 0 : i32
        %dma_start3A_212 = arith.constant 0 : i32
        %dma_start3A_213 = tpu.memref_slice %arg3[%dma_start3A_211, %dma_start3A_212] : memref<1000000x64xf32, #tpu.memory_space<hbm>> -> memref<1000000x64xf32, #tpu.memory_space<hbm>>
        tpu.enqueue_indirect_dma source(%dma_start3A_213 : memref<1000000x64xf32, #tpu.memory_space<hbm>>) target(%arg8 : memref<800x64xf32, #tpu.memory_space<vmem>>) offsets(%arg6 : memref<800xi32, #tpu.memory_space<vmem>>) semaphore(%arg12 : memref<!tpu.dma_semaphore, #tpu.memory_space<semaphore_mem>>)
      } else {
      }
      %add3A_107 = arith.constant 2 : i32
      %add3A_108 = arith.addi %add3A_32, %add3A_107 : i32
      %lt3A_109 = arith.constant 32 : i32
      %lt3A_110 = arith.cmpi slt, %add3A_108, %lt3A_109 : i32
      %convert_element_type3A_111 = arith.extui %lt3A_110 : i1 to i32
      %cond3A_112 = arith.constant 0 : i32
      %cond3A_113 = arith.cmpi ne, %convert_element_type3A_111, %cond3A_112 : i32
      scf.if %cond3A_113 {
        %add3A_207 = arith.constant 2 : i32
        %add3A_208 = arith.addi %add3A_32, %add3A_207 : i32
        %mul3A_209 = arith.constant 800 : i32
        %mul3A_210 = arith.muli %add3A_208, %mul3A_209 : i32
        %add3A_211 = arith.addi %mul3A_2, %mul3A_210 : i32
        %dma_start3A_212 = tpu.memref_slice %arg2[%add3A_211] : memref<819200xi32, #tpu.memory_space<hbm>> -> memref<800xi32, #tpu.memory_space<hbm>>
        %dma_start3A_213 = tpu.memref_slice %arg2[%add3A_211] : memref<819200xi32, #tpu.memory_space<hbm>> -> memref<800xi32, #tpu.memory_space<hbm>>
        tpu.enqueue_dma source(%dma_start3A_213 : memref<800xi32, #tpu.memory_space<hbm>>) target(%arg5 : memref<800xi32, #tpu.memory_space<vmem>>) target_semaphore(%arg9 : memref<!tpu.dma_semaphore, #tpu.memory_space<semaphore_mem>>)
      } else {
      }
      %mul3A_114 = arith.constant 2 : i32
      %mul3A_115 = arith.muli %scan3A_28, %mul3A_114 : i32
      %add3A_116 = arith.constant 1 : i32
      %add3A_117 = arith.addi %mul3A_115, %add3A_116 : i32
      %dma_wait3A_118 = arith.constant 0 : i32
      %dma_wait3A_119 = arith.constant 0 : i32
      %dma_wait3A_120 = tpu.memref_slice %arg3[%dma_wait3A_118, %dma_wait3A_119] : memref<1000000x64xf32, #tpu.memory_space<hbm>> -> memref<1000000x64xf32, #tpu.memory_space<hbm>>
      tpu.wait_indirect_dma semaphore(%arg12 : memref<!tpu.dma_semaphore, #tpu.memory_space<semaphore_mem>>) src(%dma_wait3A_120 : memref<1000000x64xf32, #tpu.memory_space<hbm>>) dst(%arg8 : memref<800x64xf32, #tpu.memory_space<vmem>>)
      %broadcast_in_dim3A_121 = arith.constant 2147483647 : i32
      %broadcast_in_dim3A_122 = vector.broadcast %broadcast_in_dim3A_121 : i32 to vector<16xi32>
      %scan3A_123 = arith.constant 0 : i32
      %scan3A_124 = arith.constant 50 : i32
      %scan3A_125 = arith.addi %scan3A_123, %scan3A_124 : i32
      %scan3A_126 = arith.constant 1 : i32
      %scan3A_127 = scf.for %scan3A_207 = %scan3A_123 to %scan3A_125 step %scan3A_126 iter_args(%scan3A_208 = %broadcast_in_dim3A_122) -> (vector<16xi32>)  : i32 {
        %mul3A_209 = arith.constant 16 : i32
        %mul3A_210 = arith.muli %scan3A_207, %mul3A_209 : i32
        %get3A = arith.index_cast %mul3A_210 : i32 to index
        %get3A_211 = tpu.vector_load %arg6[%get3A] {strides = array<i32>} : memref<800xi32, #tpu.memory_space<vmem>>, vector<16xi32>,
        %get3A_212 = vector.shape_cast %get3A_211 : vector<16xi32> to vector<16xi32>
        %eq3A = arith.constant 0 : i32
        %eq3A_213 = vector.broadcast %eq3A : i32 to vector<16xi32>
        %eq3A_214 = arith.cmpi eq, %get3A_212, %eq3A_213 : vector<16xi32>
        %mul3A_215 = arith.constant 16 : i32
        %mul3A_216 = arith.muli %scan3A_207, %mul3A_215 : i32
        %add3A_217 = vector.broadcast %mul3A_216 : i32 to vector<16xi32>
        %add3A_218 = arith.addi %add3A_217, %iota3A : vector<16xi32>
        %jit3A = arith.constant 2147483647 : i32
        %broadcast_in_dim3A_219 = vector.broadcast %jit3A : i32 to vector<16xi32>
        %select_n3A = arith.select %eq3A_214, %add3A_218, %broadcast_in_dim3A_219 : vector<16xi1>, vector<16xi32>
        %min3A_220 = arith.minsi %scan3A_208, %select_n3A : vector<16xi32>
        scf.yield %min3A_220 : vector<16xi32>
      }
      %scan3A_128 = arith.constant 50 : i32
      %slice3A_129 = vector.extract_strided_slice %scan3A_127 {offsets = [0], sizes = [1], strides = [1]} : vector<16xi32> to vector<1xi32>
      %squeeze3A_130 = vector.extract %slice3A_129[0] : i32 from vector<1xi32>
      %slice3A_131 = vector.extract_strided_slice %scan3A_127 {offsets = [1], sizes = [1], strides = [1]} : vector<16xi32> to vector<1xi32>
      %squeeze3A_132 = vector.extract %slice3A_131[0] : i32 from vector<1xi32>
      %min3A_133 = arith.minsi %squeeze3A_130, %squeeze3A_132 : i32
      %slice3A_134 = vector.extract_strided_slice %scan3A_127 {offsets = [2], sizes = [1], strides = [1]} : vector<16xi32> to vector<1xi32>
      %squeeze3A_135 = vector.extract %slice3A_134[0] : i32 from vector<1xi32>
      %min3A_136 = arith.minsi %min3A_133, %squeeze3A_135 : i32
      %slice3A_137 = vector.extract_strided_slice %scan3A_127 {offsets = [3], sizes = [1], strides = [1]} : vector<16xi32> to vector<1xi32>
      %squeeze3A_138 = vector.extract %slice3A_137[0] : i32 from vector<1xi32>
      %min3A_139 = arith.minsi %min3A_136, %squeeze3A_138 : i32
      %slice3A_140 = vector.extract_strided_slice %scan3A_127 {offsets = [4], sizes = [1], strides = [1]} : vector<16xi32> to vector<1xi32>
      %squeeze3A_141 = vector.extract %slice3A_140[0] : i32 from vector<1xi32>
      %min3A_142 = arith.minsi %min3A_139, %squeeze3A_141 : i32
      %slice3A_143 = vector.extract_strided_slice %scan3A_127 {offsets = [5], sizes = [1], strides = [1]} : vector<16xi32> to vector<1xi32>
      %squeeze3A_144 = vector.extract %slice3A_143[0] : i32 from vector<1xi32>
      %min3A_145 = arith.minsi %min3A_142, %squeeze3A_144 : i32
      %slice3A_146 = vector.extract_strided_slice %scan3A_127 {offsets = [6], sizes = [1], strides = [1]} : vector<16xi32> to vector<1xi32>
      %squeeze3A_147 = vector.extract %slice3A_146[0] : i32 from vector<1xi32>
      %min3A_148 = arith.minsi %min3A_145, %squeeze3A_147 : i32
      %slice3A_149 = vector.extract_strided_slice %scan3A_127 {offsets = [7], sizes = [1], strides = [1]} : vector<16xi32> to vector<1xi32>
      %squeeze3A_150 = vector.extract %slice3A_149[0] : i32 from vector<1xi32>
      %min3A_151 = arith.minsi %min3A_148, %squeeze3A_150 : i32
      %slice3A_152 = vector.extract_strided_slice %scan3A_127 {offsets = [8], sizes = [1], strides = [1]} : vector<16xi32> to vector<1xi32>
      %squeeze3A_153 = vector.extract %slice3A_152[0] : i32 from vector<1xi32>
      %min3A_154 = arith.minsi %min3A_151, %squeeze3A_153 : i32
      %slice3A_155 = vector.extract_strided_slice %scan3A_127 {offsets = [9], sizes = [1], strides = [1]} : vector<16xi32> to vector<1xi32>
      %squeeze3A_156 = vector.extract %slice3A_155[0] : i32 from vector<1xi32>
      %min3A_157 = arith.minsi %min3A_154, %squeeze3A_156 : i32
      %slice3A_158 = vector.extract_strided_slice %scan3A_127 {offsets = [10], sizes = [1], strides = [1]} : vector<16xi32> to vector<1xi32>
      %squeeze3A_159 = vector.extract %slice3A_158[0] : i32 from vector<1xi32>
      %min3A_160 = arith.minsi %min3A_157, %squeeze3A_159 : i32
      %slice3A_161 = vector.extract_strided_slice %scan3A_127 {offsets = [11], sizes = [1], strides = [1]} : vector<16xi32> to vector<1xi32>
      %squeeze3A_162 = vector.extract %slice3A_161[0] : i32 from vector<1xi32>
      %min3A_163 = arith.minsi %min3A_160, %squeeze3A_162 : i32
      %slice3A_164 = vector.extract_strided_slice %scan3A_127 {offsets = [12], sizes = [1], strides = [1]} : vector<16xi32> to vector<1xi32>
      %squeeze3A_165 = vector.extract %slice3A_164[0] : i32 from vector<1xi32>
      %min3A_166 = arith.minsi %min3A_163, %squeeze3A_165 : i32
      %slice3A_167 = vector.extract_strided_slice %scan3A_127 {offsets = [13], sizes = [1], strides = [1]} : vector<16xi32> to vector<1xi32>
      %squeeze3A_168 = vector.extract %slice3A_167[0] : i32 from vector<1xi32>
      %min3A_169 = arith.minsi %min3A_166, %squeeze3A_168 : i32
      %slice3A_170 = vector.extract_strided_slice %scan3A_127 {offsets = [14], sizes = [1], strides = [1]} : vector<16xi32> to vector<1xi32>
      %squeeze3A_171 = vector.extract %slice3A_170[0] : i32 from vector<1xi32>
      %min3A_172 = arith.minsi %min3A_169, %squeeze3A_171 : i32
      %slice3A_173 = vector.extract_strided_slice %scan3A_127 {offsets = [15], sizes = [1], strides = [1]} : vector<16xi32> to vector<1xi32>
      %squeeze3A_174 = vector.extract %slice3A_173[0] : i32 from vector<1xi32>
      %min3A_175 = arith.minsi %min3A_172, %squeeze3A_174 : i32
      %ne3A_176 = arith.constant 2147483647 : i32
      %ne3A_177 = arith.cmpi ne, %min3A_175, %ne3A_176 : i32
      %convert_element_type3A_178 = arith.extui %ne3A_177 : i1 to i32
      %cond3A_179 = arith.constant 0 : i32
      %cond3A_180 = arith.cmpi ne, %convert_element_type3A_178, %cond3A_179 : i32
      scf.if %cond3A_180 {
        %scan3A_207 = arith.constant 0 : i32
        %scan3A_208 = arith.constant 0 : i32
        %scan3A_209 = arith.constant 50 : i32
        %scan3A_210 = arith.addi %scan3A_208, %scan3A_209 : i32
        %scan3A_211 = arith.constant 1 : i32
        scf.for %scan3A_213 = %scan3A_208 to %scan3A_210 step %scan3A_211  : i32 {
          %mul3A_214 = arith.constant 16 : i32
          %mul3A_215 = arith.muli %scan3A_213, %mul3A_214 : i32
          %get3A = arith.index_cast %mul3A_215 : i32 to index
          %get3A_216 = tpu.vector_load %arg6[%get3A] {strides = array<i32>} : memref<800xi32, #tpu.memory_space<vmem>>, vector<16xi32>,
          %get3A_217 = vector.shape_cast %get3A_216 : vector<16xi32> to vector<16xi32>
          %slice3A_218 = vector.extract_strided_slice %get3A_217 {offsets = [0], sizes = [1], strides = [1]} : vector<16xi32> to vector<1xi32>
          %squeeze3A_219 = vector.extract %slice3A_218[0] : i32 from vector<1xi32>
          %eq3A = arith.constant 0 : i32
          %eq3A_220 = arith.cmpi eq, %squeeze3A_219, %eq3A : i32
          %convert_element_type3A_221 = arith.extui %eq3A_220 : i1 to i32
          %cond3A_222 = arith.constant 0 : i32
          %cond3A_223 = arith.cmpi ne, %convert_element_type3A_221, %cond3A_222 : i32
          scf.if %cond3A_223 {
            %mul3A_329 = arith.constant 16 : i32
            %mul3A_330 = arith.muli %scan3A_213, %mul3A_329 : i32
            %add3A_331 = arith.constant 0 : i32
            %add3A_332 = arith.addi %mul3A_330, %add3A_331 : i32
            %swap3A = arith.index_cast %add3A_332 : i32 to index
            %swap3A_333 = arith.constant 0 : index
            %swap3A_334 = tpu.vector_load %arg8[%swap3A, %swap3A_333] {strides = array<i32>} : memref<800x64xf32, #tpu.memory_space<vmem>>, vector<1x16xf32>,
            %swap3A_335 = vector.shape_cast %swap3A_334 : vector<1x16xf32> to vector<16xf32>
            %swap3A_336 = vector.shape_cast %broadcast_in_dim3A_3 : vector<16xf32> to vector<1x16xf32>
            tpu.vector_store %arg8[%swap3A, %swap3A_333], %swap3A_336 {strides = array<i32>} : memref<800x64xf32, #tpu.memory_space<vmem>>, vector<1x16xf32>,
            %swap3A_337 = arith.index_cast %add3A_332 : i32 to index
            %swap3A_338 = arith.constant 16 : index
            %swap3A_339 = tpu.vector_load %arg8[%swap3A_337, %swap3A_338] {strides = array<i32>} : memref<800x64xf32, #tpu.memory_space<vmem>>, vector<1x16xf32>,
            %swap3A_340 = vector.shape_cast %swap3A_339 : vector<1x16xf32> to vector<16xf32>
            %swap3A_341 = vector.shape_cast %broadcast_in_dim3A_3 : vector<16xf32> to vector<1x16xf32>
            tpu.vector_store %arg8[%swap3A_337, %swap3A_338], %swap3A_341 {strides = array<i32>} : memref<800x64xf32, #tpu.memory_space<vmem>>, vector<1x16xf32>,
            %swap3A_342 = arith.index_cast %add3A_332 : i32 to index
            %swap3A_343 = arith.constant 32 : index
            %swap3A_344 = tpu.vector_load %arg8[%swap3A_342, %swap3A_343] {strides = array<i32>} : memref<800x64xf32, #tpu.memory_space<vmem>>, vector<1x16xf32>,
            %swap3A_345 = vector.shape_cast %swap3A_344 : vector<1x16xf32> to vector<16xf32>
            %swap3A_346 = vector.shape_cast %broadcast_in_dim3A_3 : vector<16xf32> to vector<1x16xf32>
            tpu.vector_store %arg8[%swap3A_342, %swap3A_343], %swap3A_346 {strides = array<i32>} : memref<800x64xf32, #tpu.memory_space<vmem>>, vector<1x16xf32>,
            %swap3A_347 = arith.index_cast %add3A_332 : i32 to index
            %swap3A_348 = arith.constant 48 : index
            %swap3A_349 = tpu.vector_load %arg8[%swap3A_347, %swap3A_348] {strides = array<i32>} : memref<800x64xf32, #tpu.memory_space<vmem>>, vector<1x16xf32>,
            %swap3A_350 = vector.shape_cast %swap3A_349 : vector<1x16xf32> to vector<16xf32>
            %swap3A_351 = vector.shape_cast %broadcast_in_dim3A_3 : vector<16xf32> to vector<1x16xf32>
            tpu.vector_store %arg8[%swap3A_347, %swap3A_348], %swap3A_351 {strides = array<i32>} : memref<800x64xf32, #tpu.memory_space<vmem>>, vector<1x16xf32>,
          } else {
          }
          %slice3A_224 = vector.extract_strided_slice %get3A_217 {offsets = [1], sizes = [1], strides = [1]} : vector<16xi32> to vector<1xi32>
          %squeeze3A_225 = vector.extract %slice3A_224[0] : i32 from vector<1xi32>
          %eq3A_226 = arith.constant 0 : i32
          %eq3A_227 = arith.cmpi eq, %squeeze3A_225, %eq3A_226 : i32
          %convert_element_type3A_228 = arith.extui %eq3A_227 : i1 to i32
          %cond3A_229 = arith.constant 0 : i32
          %cond3A_230 = arith.cmpi ne, %convert_element_type3A_228, %cond3A_229 : i32
          scf.if %cond3A_230 {
            %mul3A_329 = arith.constant 16 : i32
            %mul3A_330 = arith.muli %scan3A_213, %mul3A_329 : i32
            %add3A_331 = arith.constant 1 : i32
            %add3A_332 = arith.addi %mul3A_330, %add3A_331 : i32
            %swap3A = arith.index_cast %add3A_332 : i32 to index
            %swap3A_333 = arith.constant 0 : index
            %swap3A_334 = tpu.vector_load %arg8[%swap3A, %swap3A_333] {strides = array<i32>} : memref<800x64xf32, #tpu.memory_space<vmem>>, vector<1x16xf32>,
            %swap3A_335 = vector.shape_cast %swap3A_334 : vector<1x16xf32> to vector<16xf32>
            %swap3A_336 = vector.shape_cast %broadcast_in_dim3A_3 : vector<16xf32> to vector<1x16xf32>
            tpu.vector_store %arg8[%swap3A, %swap3A_333], %swap3A_336 {strides = array<i32>} : memref<800x64xf32, #tpu.memory_space<vmem>>, vector<1x16xf32>,
            %swap3A_337 = arith.index_cast %add3A_332 : i32 to index
            %swap3A_338 = arith.constant 16 : index
            %swap3A_339 = tpu.vector_load %arg8[%swap3A_337, %swap3A_338] {strides = array<i32>} : memref<800x64xf32, #tpu.memory_space<vmem>>, vector<1x16xf32>,
            %swap3A_340 = vector.shape_cast %swap3A_339 : vector<1x16xf32> to vector<16xf32>
            %swap3A_341 = vector.shape_cast %broadcast_in_dim3A_3 : vector<16xf32> to vector<1x16xf32>
            tpu.vector_store %arg8[%swap3A_337, %swap3A_338], %swap3A_341 {strides = array<i32>} : memref<800x64xf32, #tpu.memory_space<vmem>>, vector<1x16xf32>,
            %swap3A_342 = arith.index_cast %add3A_332 : i32 to index
            %swap3A_343 = arith.constant 32 : index
            %swap3A_344 = tpu.vector_load %arg8[%swap3A_342, %swap3A_343] {strides = array<i32>} : memref<800x64xf32, #tpu.memory_space<vmem>>, vector<1x16xf32>,
            %swap3A_345 = vector.shape_cast %swap3A_344 : vector<1x16xf32> to vector<16xf32>
            %swap3A_346 = vector.shape_cast %broadcast_in_dim3A_3 : vector<16xf32> to vector<1x16xf32>
            tpu.vector_store %arg8[%swap3A_342, %swap3A_343], %swap3A_346 {strides = array<i32>} : memref<800x64xf32, #tpu.memory_space<vmem>>, vector<1x16xf32>,
            %swap3A_347 = arith.index_cast %add3A_332 : i32 to index
            %swap3A_348 = arith.constant 48 : index
            %swap3A_349 = tpu.vector_load %arg8[%swap3A_347, %swap3A_348] {strides = array<i32>} : memref<800x64xf32, #tpu.memory_space<vmem>>, vector<1x16xf32>,
            %swap3A_350 = vector.shape_cast %swap3A_349 : vector<1x16xf32> to vector<16xf32>
            %swap3A_351 = vector.shape_cast %broadcast_in_dim3A_3 : vector<16xf32> to vector<1x16xf32>
            tpu.vector_store %arg8[%swap3A_347, %swap3A_348], %swap3A_351 {strides = array<i32>} : memref<800x64xf32, #tpu.memory_space<vmem>>, vector<1x16xf32>,
          } else {
          }
          %slice3A_231 = vector.extract_strided_slice %get3A_217 {offsets = [2], sizes = [1], strides = [1]} : vector<16xi32> to vector<1xi32>
          %squeeze3A_232 = vector.extract %slice3A_231[0] : i32 from vector<1xi32>
          %eq3A_233 = arith.constant 0 : i32
          %eq3A_234 = arith.cmpi eq, %squeeze3A_232, %eq3A_233 : i32
          %convert_element_type3A_235 = arith.extui %eq3A_234 : i1 to i32
          %cond3A_236 = arith.constant 0 : i32
          %cond3A_237 = arith.cmpi ne, %convert_element_type3A_235, %cond3A_236 : i32
          scf.if %cond3A_237 {
            %mul3A_329 = arith.constant 16 : i32
            %mul3A_330 = arith.muli %scan3A_213, %mul3A_329 : i32
            %add3A_331 = arith.constant 2 : i32
            %add3A_332 = arith.addi %mul3A_330, %add3A_331 : i32
            %swap3A = arith.index_cast %add3A_332 : i32 to index
            %swap3A_333 = arith.constant 0 : index
            %swap3A_334 = tpu.vector_load %arg8[%swap3A, %swap3A_333] {strides = array<i32>} : memref<800x64xf32, #tpu.memory_space<vmem>>, vector<1x16xf32>,
            %swap3A_335 = vector.shape_cast %swap3A_334 : vector<1x16xf32> to vector<16xf32>
            %swap3A_336 = vector.shape_cast %broadcast_in_dim3A_3 : vector<16xf32> to vector<1x16xf32>
            tpu.vector_store %arg8[%swap3A, %swap3A_333], %swap3A_336 {strides = array<i32>} : memref<800x64xf32, #tpu.memory_space<vmem>>, vector<1x16xf32>,
            %swap3A_337 = arith.index_cast %add3A_332 : i32 to index
            %swap3A_338 = arith.constant 16 : index
            %swap3A_339 = tpu.vector_load %arg8[%swap3A_337, %swap3A_338] {strides = array<i32>} : memref<800x64xf32, #tpu.memory_space<vmem>>, vector<1x16xf32>,
            %swap3A_340 = vector.shape_cast %swap3A_339 : vector<1x16xf32> to vector<16xf32>
            %swap3A_341 = vector.shape_cast %broadcast_in_dim3A_3 : vector<16xf32> to vector<1x16xf32>
            tpu.vector_store %arg8[%swap3A_337, %swap3A_338], %swap3A_341 {strides = array<i32>} : memref<800x64xf32, #tpu.memory_space<vmem>>, vector<1x16xf32>,
            %swap3A_342 = arith.index_cast %add3A_332 : i32 to index
            %swap3A_343 = arith.constant 32 : index
            %swap3A_344 = tpu.vector_load %arg8[%swap3A_342, %swap3A_343] {strides = array<i32>} : memref<800x64xf32, #tpu.memory_space<vmem>>, vector<1x16xf32>,
            %swap3A_345 = vector.shape_cast %swap3A_344 : vector<1x16xf32> to vector<16xf32>
            %swap3A_346 = vector.shape_cast %broadcast_in_dim3A_3 : vector<16xf32> to vector<1x16xf32>
            tpu.vector_store %arg8[%swap3A_342, %swap3A_343], %swap3A_346 {strides = array<i32>} : memref<800x64xf32, #tpu.memory_space<vmem>>, vector<1x16xf32>,
            %swap3A_347 = arith.index_cast %add3A_332 : i32 to index
            %swap3A_348 = arith.constant 48 : index
            %swap3A_349 = tpu.vector_load %arg8[%swap3A_347, %swap3A_348] {strides = array<i32>} : memref<800x64xf32, #tpu.memory_space<vmem>>, vector<1x16xf32>,
            %swap3A_350 = vector.shape_cast %swap3A_349 : vector<1x16xf32> to vector<16xf32>
            %swap3A_351 = vector.shape_cast %broadcast_in_dim3A_3 : vector<16xf32> to vector<1x16xf32>
            tpu.vector_store %arg8[%swap3A_347, %swap3A_348], %swap3A_351 {strides = array<i32>} : memref<800x64xf32, #tpu.memory_space<vmem>>, vector<1x16xf32>,
          } else {
          }
          %slice3A_238 = vector.extract_strided_slice %get3A_217 {offsets = [3], sizes = [1], strides = [1]} : vector<16xi32> to vector<1xi32>
          %squeeze3A_239 = vector.extract %slice3A_238[0] : i32 from vector<1xi32>
          %eq3A_240 = arith.constant 0 : i32
          %eq3A_241 = arith.cmpi eq, %squeeze3A_239, %eq3A_240 : i32
          %convert_element_type3A_242 = arith.extui %eq3A_241 : i1 to i32
          %cond3A_243 = arith.constant 0 : i32
          %cond3A_244 = arith.cmpi ne, %convert_element_type3A_242, %cond3A_243 : i32
          scf.if %cond3A_244 {
            %mul3A_329 = arith.constant 16 : i32
            %mul3A_330 = arith.muli %scan3A_213, %mul3A_329 : i32
            %add3A_331 = arith.constant 3 : i32
            %add3A_332 = arith.addi %mul3A_330, %add3A_331 : i32
            %swap3A = arith.index_cast %add3A_332 : i32 to index
            %swap3A_333 = arith.constant 0 : index
            %swap3A_334 = tpu.vector_load %arg8[%swap3A, %swap3A_333] {strides = array<i32>} : memref<800x64xf32, #tpu.memory_space<vmem>>, vector<1x16xf32>,
            %swap3A_335 = vector.shape_cast %swap3A_334 : vector<1x16xf32> to vector<16xf32>
            %swap3A_336 = vector.shape_cast %broadcast_in_dim3A_3 : vector<16xf32> to vector<1x16xf32>
            tpu.vector_store %arg8[%swap3A, %swap3A_333], %swap3A_336 {strides = array<i32>} : memref<800x64xf32, #tpu.memory_space<vmem>>, vector<1x16xf32>,
            %swap3A_337 = arith.index_cast %add3A_332 : i32 to index
            %swap3A_338 = arith.constant 16 : index
            %swap3A_339 = tpu.vector_load %arg8[%swap3A_337, %swap3A_338] {strides = array<i32>} : memref<800x64xf32, #tpu.memory_space<vmem>>, vector<1x16xf32>,
            %swap3A_340 = vector.shape_cast %swap3A_339 : vector<1x16xf32> to vector<16xf32>
            %swap3A_341 = vector.shape_cast %broadcast_in_dim3A_3 : vector<16xf32> to vector<1x16xf32>
            tpu.vector_store %arg8[%swap3A_337, %swap3A_338], %swap3A_341 {strides = array<i32>} : memref<800x64xf32, #tpu.memory_space<vmem>>, vector<1x16xf32>,
            %swap3A_342 = arith.index_cast %add3A_332 : i32 to index
            %swap3A_343 = arith.constant 32 : index
            %swap3A_344 = tpu.vector_load %arg8[%swap3A_342, %swap3A_343] {strides = array<i32>} : memref<800x64xf32, #tpu.memory_space<vmem>>, vector<1x16xf32>,
            %swap3A_345 = vector.shape_cast %swap3A_344 : vector<1x16xf32> to vector<16xf32>
            %swap3A_346 = vector.shape_cast %broadcast_in_dim3A_3 : vector<16xf32> to vector<1x16xf32>
            tpu.vector_store %arg8[%swap3A_342, %swap3A_343], %swap3A_346 {strides = array<i32>} : memref<800x64xf32, #tpu.memory_space<vmem>>, vector<1x16xf32>,
            %swap3A_347 = arith.index_cast %add3A_332 : i32 to index
            %swap3A_348 = arith.constant 48 : index
            %swap3A_349 = tpu.vector_load %arg8[%swap3A_347, %swap3A_348] {strides = array<i32>} : memref<800x64xf32, #tpu.memory_space<vmem>>, vector<1x16xf32>,
            %swap3A_350 = vector.shape_cast %swap3A_349 : vector<1x16xf32> to vector<16xf32>
            %swap3A_351 = vector.shape_cast %broadcast_in_dim3A_3 : vector<16xf32> to vector<1x16xf32>
            tpu.vector_store %arg8[%swap3A_347, %swap3A_348], %swap3A_351 {strides = array<i32>} : memref<800x64xf32, #tpu.memory_space<vmem>>, vector<1x16xf32>,
          } else {
          }
          %slice3A_245 = vector.extract_strided_slice %get3A_217 {offsets = [4], sizes = [1], strides = [1]} : vector<16xi32> to vector<1xi32>
          %squeeze3A_246 = vector.extract %slice3A_245[0] : i32 from vector<1xi32>
          %eq3A_247 = arith.constant 0 : i32
          %eq3A_248 = arith.cmpi eq, %squeeze3A_246, %eq3A_247 : i32
          %convert_element_type3A_249 = arith.extui %eq3A_248 : i1 to i32
          %cond3A_250 = arith.constant 0 : i32
          %cond3A_251 = arith.cmpi ne, %convert_element_type3A_249, %cond3A_250 : i32
          scf.if %cond3A_251 {
            %mul3A_329 = arith.constant 16 : i32
            %mul3A_330 = arith.muli %scan3A_213, %mul3A_329 : i32
            %add3A_331 = arith.constant 4 : i32
            %add3A_332 = arith.addi %mul3A_330, %add3A_331 : i32
            %swap3A = arith.index_cast %add3A_332 : i32 to index
            %swap3A_333 = arith.constant 0 : index
            %swap3A_334 = tpu.vector_load %arg8[%swap3A, %swap3A_333] {strides = array<i32>} : memref<800x64xf32, #tpu.memory_space<vmem>>, vector<1x16xf32>,
            %swap3A_335 = vector.shape_cast %swap3A_334 : vector<1x16xf32> to vector<16xf32>
            %swap3A_336 = vector.shape_cast %broadcast_in_dim3A_3 : vector<16xf32> to vector<1x16xf32>
            tpu.vector_store %arg8[%swap3A, %swap3A_333], %swap3A_336 {strides = array<i32>} : memref<800x64xf32, #tpu.memory_space<vmem>>, vector<1x16xf32>,
            %swap3A_337 = arith.index_cast %add3A_332 : i32 to index
            %swap3A_338 = arith.constant 16 : index
            %swap3A_339 = tpu.vector_load %arg8[%swap3A_337, %swap3A_338] {strides = array<i32>} : memref<800x64xf32, #tpu.memory_space<vmem>>, vector<1x16xf32>,
            %swap3A_340 = vector.shape_cast %swap3A_339 : vector<1x16xf32> to vector<16xf32>
            %swap3A_341 = vector.shape_cast %broadcast_in_dim3A_3 : vector<16xf32> to vector<1x16xf32>
            tpu.vector_store %arg8[%swap3A_337, %swap3A_338], %swap3A_341 {strides = array<i32>} : memref<800x64xf32, #tpu.memory_space<vmem>>, vector<1x16xf32>,
            %swap3A_342 = arith.index_cast %add3A_332 : i32 to index
            %swap3A_343 = arith.constant 32 : index
            %swap3A_344 = tpu.vector_load %arg8[%swap3A_342, %swap3A_343] {strides = array<i32>} : memref<800x64xf32, #tpu.memory_space<vmem>>, vector<1x16xf32>,
            %swap3A_345 = vector.shape_cast %swap3A_344 : vector<1x16xf32> to vector<16xf32>
            %swap3A_346 = vector.shape_cast %broadcast_in_dim3A_3 : vector<16xf32> to vector<1x16xf32>
            tpu.vector_store %arg8[%swap3A_342, %swap3A_343], %swap3A_346 {strides = array<i32>} : memref<800x64xf32, #tpu.memory_space<vmem>>, vector<1x16xf32>,
            %swap3A_347 = arith.index_cast %add3A_332 : i32 to index
            %swap3A_348 = arith.constant 48 : index
            %swap3A_349 = tpu.vector_load %arg8[%swap3A_347, %swap3A_348] {strides = array<i32>} : memref<800x64xf32, #tpu.memory_space<vmem>>, vector<1x16xf32>,
            %swap3A_350 = vector.shape_cast %swap3A_349 : vector<1x16xf32> to vector<16xf32>
            %swap3A_351 = vector.shape_cast %broadcast_in_dim3A_3 : vector<16xf32> to vector<1x16xf32>
            tpu.vector_store %arg8[%swap3A_347, %swap3A_348], %swap3A_351 {strides = array<i32>} : memref<800x64xf32, #tpu.memory_space<vmem>>, vector<1x16xf32>,
          } else {
          }
          %slice3A_252 = vector.extract_strided_slice %get3A_217 {offsets = [5], sizes = [1], strides = [1]} : vector<16xi32> to vector<1xi32>
          %squeeze3A_253 = vector.extract %slice3A_252[0] : i32 from vector<1xi32>
          %eq3A_254 = arith.constant 0 : i32
          %eq3A_255 = arith.cmpi eq, %squeeze3A_253, %eq3A_254 : i32
          %convert_element_type3A_256 = arith.extui %eq3A_255 : i1 to i32
          %cond3A_257 = arith.constant 0 : i32
          %cond3A_258 = arith.cmpi ne, %convert_element_type3A_256, %cond3A_257 : i32
          scf.if %cond3A_258 {
            %mul3A_329 = arith.constant 16 : i32
            %mul3A_330 = arith.muli %scan3A_213, %mul3A_329 : i32
            %add3A_331 = arith.constant 5 : i32
            %add3A_332 = arith.addi %mul3A_330, %add3A_331 : i32
            %swap3A = arith.index_cast %add3A_332 : i32 to index
            %swap3A_333 = arith.constant 0 : index
            %swap3A_334 = tpu.vector_load %arg8[%swap3A, %swap3A_333] {strides = array<i32>} : memref<800x64xf32, #tpu.memory_space<vmem>>, vector<1x16xf32>,
            %swap3A_335 = vector.shape_cast %swap3A_334 : vector<1x16xf32> to vector<16xf32>
            %swap3A_336 = vector.shape_cast %broadcast_in_dim3A_3 : vector<16xf32> to vector<1x16xf32>
            tpu.vector_store %arg8[%swap3A, %swap3A_333], %swap3A_336 {strides = array<i32>} : memref<800x64xf32, #tpu.memory_space<vmem>>, vector<1x16xf32>,
            %swap3A_337 = arith.index_cast %add3A_332 : i32 to index
            %swap3A_338 = arith.constant 16 : index
            %swap3A_339 = tpu.vector_load %arg8[%swap3A_337, %swap3A_338] {strides = array<i32>} : memref<800x64xf32, #tpu.memory_space<vmem>>, vector<1x16xf32>,
            %swap3A_340 = vector.shape_cast %swap3A_339 : vector<1x16xf32> to vector<16xf32>
            %swap3A_341 = vector.shape_cast %broadcast_in_dim3A_3 : vector<16xf32> to vector<1x16xf32>
            tpu.vector_store %arg8[%swap3A_337, %swap3A_338], %swap3A_341 {strides = array<i32>} : memref<800x64xf32, #tpu.memory_space<vmem>>, vector<1x16xf32>,
            %swap3A_342 = arith.index_cast %add3A_332 : i32 to index
            %swap3A_343 = arith.constant 32 : index
            %swap3A_344 = tpu.vector_load %arg8[%swap3A_342, %swap3A_343] {strides = array<i32>} : memref<800x64xf32, #tpu.memory_space<vmem>>, vector<1x16xf32>,
            %swap3A_345 = vector.shape_cast %swap3A_344 : vector<1x16xf32> to vector<16xf32>
            %swap3A_346 = vector.shape_cast %broadcast_in_dim3A_3 : vector<16xf32> to vector<1x16xf32>
            tpu.vector_store %arg8[%swap3A_342, %swap3A_343], %swap3A_346 {strides = array<i32>} : memref<800x64xf32, #tpu.memory_space<vmem>>, vector<1x16xf32>,
            %swap3A_347 = arith.index_cast %add3A_332 : i32 to index
            %swap3A_348 = arith.constant 48 : index
            %swap3A_349 = tpu.vector_load %arg8[%swap3A_347, %swap3A_348] {strides = array<i32>} : memref<800x64xf32, #tpu.memory_space<vmem>>, vector<1x16xf32>,
            %swap3A_350 = vector.shape_cast %swap3A_349 : vector<1x16xf32> to vector<16xf32>
            %swap3A_351 = vector.shape_cast %broadcast_in_dim3A_3 : vector<16xf32> to vector<1x16xf32>
            tpu.vector_store %arg8[%swap3A_347, %swap3A_348], %swap3A_351 {strides = array<i32>} : memref<800x64xf32, #tpu.memory_space<vmem>>, vector<1x16xf32>,
          } else {
          }
          %slice3A_259 = vector.extract_strided_slice %get3A_217 {offsets = [6], sizes = [1], strides = [1]} : vector<16xi32> to vector<1xi32>
          %squeeze3A_260 = vector.extract %slice3A_259[0] : i32 from vector<1xi32>
          %eq3A_261 = arith.constant 0 : i32
          %eq3A_262 = arith.cmpi eq, %squeeze3A_260, %eq3A_261 : i32
          %convert_element_type3A_263 = arith.extui %eq3A_262 : i1 to i32
          %cond3A_264 = arith.constant 0 : i32
          %cond3A_265 = arith.cmpi ne, %convert_element_type3A_263, %cond3A_264 : i32
          scf.if %cond3A_265 {
            %mul3A_329 = arith.constant 16 : i32
            %mul3A_330 = arith.muli %scan3A_213, %mul3A_329 : i32
            %add3A_331 = arith.constant 6 : i32
            %add3A_332 = arith.addi %mul3A_330, %add3A_331 : i32
            %swap3A = arith.index_cast %add3A_332 : i32 to index
            %swap3A_333 = arith.constant 0 : index
            %swap3A_334 = tpu.vector_load %arg8[%swap3A, %swap3A_333] {strides = array<i32>} : memref<800x64xf32, #tpu.memory_space<vmem>>, vector<1x16xf32>,
            %swap3A_335 = vector.shape_cast %swap3A_334 : vector<1x16xf32> to vector<16xf32>
            %swap3A_336 = vector.shape_cast %broadcast_in_dim3A_3 : vector<16xf32> to vector<1x16xf32>
            tpu.vector_store %arg8[%swap3A, %swap3A_333], %swap3A_336 {strides = array<i32>} : memref<800x64xf32, #tpu.memory_space<vmem>>, vector<1x16xf32>,
            %swap3A_337 = arith.index_cast %add3A_332 : i32 to index
            %swap3A_338 = arith.constant 16 : index
            %swap3A_339 = tpu.vector_load %arg8[%swap3A_337, %swap3A_338] {strides = array<i32>} : memref<800x64xf32, #tpu.memory_space<vmem>>, vector<1x16xf32>,
            %swap3A_340 = vector.shape_cast %swap3A_339 : vector<1x16xf32> to vector<16xf32>
            %swap3A_341 = vector.shape_cast %broadcast_in_dim3A_3 : vector<16xf32> to vector<1x16xf32>
            tpu.vector_store %arg8[%swap3A_337, %swap3A_338], %swap3A_341 {strides = array<i32>} : memref<800x64xf32, #tpu.memory_space<vmem>>, vector<1x16xf32>,
            %swap3A_342 = arith.index_cast %add3A_332 : i32 to index
            %swap3A_343 = arith.constant 32 : index
            %swap3A_344 = tpu.vector_load %arg8[%swap3A_342, %swap3A_343] {strides = array<i32>} : memref<800x64xf32, #tpu.memory_space<vmem>>, vector<1x16xf32>,
            %swap3A_345 = vector.shape_cast %swap3A_344 : vector<1x16xf32> to vector<16xf32>
            %swap3A_346 = vector.shape_cast %broadcast_in_dim3A_3 : vector<16xf32> to vector<1x16xf32>
            tpu.vector_store %arg8[%swap3A_342, %swap3A_343], %swap3A_346 {strides = array<i32>} : memref<800x64xf32, #tpu.memory_space<vmem>>, vector<1x16xf32>,
            %swap3A_347 = arith.index_cast %add3A_332 : i32 to index
            %swap3A_348 = arith.constant 48 : index
            %swap3A_349 = tpu.vector_load %arg8[%swap3A_347, %swap3A_348] {strides = array<i32>} : memref<800x64xf32, #tpu.memory_space<vmem>>, vector<1x16xf32>,
            %swap3A_350 = vector.shape_cast %swap3A_349 : vector<1x16xf32> to vector<16xf32>
            %swap3A_351 = vector.shape_cast %broadcast_in_dim3A_3 : vector<16xf32> to vector<1x16xf32>
            tpu.vector_store %arg8[%swap3A_347, %swap3A_348], %swap3A_351 {strides = array<i32>} : memref<800x64xf32, #tpu.memory_space<vmem>>, vector<1x16xf32>,
          } else {
          }
          %slice3A_266 = vector.extract_strided_slice %get3A_217 {offsets = [7], sizes = [1], strides = [1]} : vector<16xi32> to vector<1xi32>
          %squeeze3A_267 = vector.extract %slice3A_266[0] : i32 from vector<1xi32>
          %eq3A_268 = arith.constant 0 : i32
          %eq3A_269 = arith.cmpi eq, %squeeze3A_267, %eq3A_268 : i32
          %convert_element_type3A_270 = arith.extui %eq3A_269 : i1 to i32
          %cond3A_271 = arith.constant 0 : i32
          %cond3A_272 = arith.cmpi ne, %convert_element_type3A_270, %cond3A_271 : i32
          scf.if %cond3A_272 {
            %mul3A_329 = arith.constant 16 : i32
            %mul3A_330 = arith.muli %scan3A_213, %mul3A_329 : i32
            %add3A_331 = arith.constant 7 : i32
            %add3A_332 = arith.addi %mul3A_330, %add3A_331 : i32
            %swap3A = arith.index_cast %add3A_332 : i32 to index
            %swap3A_333 = arith.constant 0 : index
            %swap3A_334 = tpu.vector_load %arg8[%swap3A, %swap3A_333] {strides = array<i32>} : memref<800x64xf32, #tpu.memory_space<vmem>>, vector<1x16xf32>,
            %swap3A_335 = vector.shape_cast %swap3A_334 : vector<1x16xf32> to vector<16xf32>
            %swap3A_336 = vector.shape_cast %broadcast_in_dim3A_3 : vector<16xf32> to vector<1x16xf32>
            tpu.vector_store %arg8[%swap3A, %swap3A_333], %swap3A_336 {strides = array<i32>} : memref<800x64xf32, #tpu.memory_space<vmem>>, vector<1x16xf32>,
            %swap3A_337 = arith.index_cast %add3A_332 : i32 to index
            %swap3A_338 = arith.constant 16 : index
            %swap3A_339 = tpu.vector_load %arg8[%swap3A_337, %swap3A_338] {strides = array<i32>} : memref<800x64xf32, #tpu.memory_space<vmem>>, vector<1x16xf32>,
            %swap3A_340 = vector.shape_cast %swap3A_339 : vector<1x16xf32> to vector<16xf32>
            %swap3A_341 = vector.shape_cast %broadcast_in_dim3A_3 : vector<16xf32> to vector<1x16xf32>
            tpu.vector_store %arg8[%swap3A_337, %swap3A_338], %swap3A_341 {strides = array<i32>} : memref<800x64xf32, #tpu.memory_space<vmem>>, vector<1x16xf32>,
            %swap3A_342 = arith.index_cast %add3A_332 : i32 to index
            %swap3A_343 = arith.constant 32 : index
            %swap3A_344 = tpu.vector_load %arg8[%swap3A_342, %swap3A_343] {strides = array<i32>} : memref<800x64xf32, #tpu.memory_space<vmem>>, vector<1x16xf32>,
            %swap3A_345 = vector.shape_cast %swap3A_344 : vector<1x16xf32> to vector<16xf32>
            %swap3A_346 = vector.shape_cast %broadcast_in_dim3A_3 : vector<16xf32> to vector<1x16xf32>
            tpu.vector_store %arg8[%swap3A_342, %swap3A_343], %swap3A_346 {strides = array<i32>} : memref<800x64xf32, #tpu.memory_space<vmem>>, vector<1x16xf32>,
            %swap3A_347 = arith.index_cast %add3A_332 : i32 to index
            %swap3A_348 = arith.constant 48 : index
            %swap3A_349 = tpu.vector_load %arg8[%swap3A_347, %swap3A_348] {strides = array<i32>} : memref<800x64xf32, #tpu.memory_space<vmem>>, vector<1x16xf32>,
            %swap3A_350 = vector.shape_cast %swap3A_349 : vector<1x16xf32> to vector<16xf32>
            %swap3A_351 = vector.shape_cast %broadcast_in_dim3A_3 : vector<16xf32> to vector<1x16xf32>
            tpu.vector_store %arg8[%swap3A_347, %swap3A_348], %swap3A_351 {strides = array<i32>} : memref<800x64xf32, #tpu.memory_space<vmem>>, vector<1x16xf32>,
          } else {
          }
          %slice3A_273 = vector.extract_strided_slice %get3A_217 {offsets = [8], sizes = [1], strides = [1]} : vector<16xi32> to vector<1xi32>
          %squeeze3A_274 = vector.extract %slice3A_273[0] : i32 from vector<1xi32>
          %eq3A_275 = arith.constant 0 : i32
          %eq3A_276 = arith.cmpi eq, %squeeze3A_274, %eq3A_275 : i32
          %convert_element_type3A_277 = arith.extui %eq3A_276 : i1 to i32
          %cond3A_278 = arith.constant 0 : i32
          %cond3A_279 = arith.cmpi ne, %convert_element_type3A_277, %cond3A_278 : i32
          scf.if %cond3A_279 {
            %mul3A_329 = arith.constant 16 : i32
            %mul3A_330 = arith.muli %scan3A_213, %mul3A_329 : i32
            %add3A_331 = arith.constant 8 : i32
            %add3A_332 = arith.addi %mul3A_330, %add3A_331 : i32
            %swap3A = arith.index_cast %add3A_332 : i32 to index
            %swap3A_333 = arith.constant 0 : index
            %swap3A_334 = tpu.vector_load %arg8[%swap3A, %swap3A_333] {strides = array<i32>} : memref<800x64xf32, #tpu.memory_space<vmem>>, vector<1x16xf32>,
            %swap3A_335 = vector.shape_cast %swap3A_334 : vector<1x16xf32> to vector<16xf32>
            %swap3A_336 = vector.shape_cast %broadcast_in_dim3A_3 : vector<16xf32> to vector<1x16xf32>
            tpu.vector_store %arg8[%swap3A, %swap3A_333], %swap3A_336 {strides = array<i32>} : memref<800x64xf32, #tpu.memory_space<vmem>>, vector<1x16xf32>,
            %swap3A_337 = arith.index_cast %add3A_332 : i32 to index
            %swap3A_338 = arith.constant 16 : index
            %swap3A_339 = tpu.vector_load %arg8[%swap3A_337, %swap3A_338] {strides = array<i32>} : memref<800x64xf32, #tpu.memory_space<vmem>>, vector<1x16xf32>,
            %swap3A_340 = vector.shape_cast %swap3A_339 : vector<1x16xf32> to vector<16xf32>
            %swap3A_341 = vector.shape_cast %broadcast_in_dim3A_3 : vector<16xf32> to vector<1x16xf32>
            tpu.vector_store %arg8[%swap3A_337, %swap3A_338], %swap3A_341 {strides = array<i32>} : memref<800x64xf32, #tpu.memory_space<vmem>>, vector<1x16xf32>,
            %swap3A_342 = arith.index_cast %add3A_332 : i32 to index
            %swap3A_343 = arith.constant 32 : index
            %swap3A_344 = tpu.vector_load %arg8[%swap3A_342, %swap3A_343] {strides = array<i32>} : memref<800x64xf32, #tpu.memory_space<vmem>>, vector<1x16xf32>,
            %swap3A_345 = vector.shape_cast %swap3A_344 : vector<1x16xf32> to vector<16xf32>
            %swap3A_346 = vector.shape_cast %broadcast_in_dim3A_3 : vector<16xf32> to vector<1x16xf32>
            tpu.vector_store %arg8[%swap3A_342, %swap3A_343], %swap3A_346 {strides = array<i32>} : memref<800x64xf32, #tpu.memory_space<vmem>>, vector<1x16xf32>,
            %swap3A_347 = arith.index_cast %add3A_332 : i32 to index
            %swap3A_348 = arith.constant 48 : index
            %swap3A_349 = tpu.vector_load %arg8[%swap3A_347, %swap3A_348] {strides = array<i32>} : memref<800x64xf32, #tpu.memory_space<vmem>>, vector<1x16xf32>,
            %swap3A_350 = vector.shape_cast %swap3A_349 : vector<1x16xf32> to vector<16xf32>
            %swap3A_351 = vector.shape_cast %broadcast_in_dim3A_3 : vector<16xf32> to vector<1x16xf32>
            tpu.vector_store %arg8[%swap3A_347, %swap3A_348], %swap3A_351 {strides = array<i32>} : memref<800x64xf32, #tpu.memory_space<vmem>>, vector<1x16xf32>,
          } else {
          }
          %slice3A_280 = vector.extract_strided_slice %get3A_217 {offsets = [9], sizes = [1], strides = [1]} : vector<16xi32> to vector<1xi32>
          %squeeze3A_281 = vector.extract %slice3A_280[0] : i32 from vector<1xi32>
          %eq3A_282 = arith.constant 0 : i32
          %eq3A_283 = arith.cmpi eq, %squeeze3A_281, %eq3A_282 : i32
          %convert_element_type3A_284 = arith.extui %eq3A_283 : i1 to i32
          %cond3A_285 = arith.constant 0 : i32
          %cond3A_286 = arith.cmpi ne, %convert_element_type3A_284, %cond3A_285 : i32
          scf.if %cond3A_286 {
            %mul3A_329 = arith.constant 16 : i32
            %mul3A_330 = arith.muli %scan3A_213, %mul3A_329 : i32
            %add3A_331 = arith.constant 9 : i32
            %add3A_332 = arith.addi %mul3A_330, %add3A_331 : i32
            %swap3A = arith.index_cast %add3A_332 : i32 to index
            %swap3A_333 = arith.constant 0 : index
            %swap3A_334 = tpu.vector_load %arg8[%swap3A, %swap3A_333] {strides = array<i32>} : memref<800x64xf32, #tpu.memory_space<vmem>>, vector<1x16xf32>,
            %swap3A_335 = vector.shape_cast %swap3A_334 : vector<1x16xf32> to vector<16xf32>
            %swap3A_336 = vector.shape_cast %broadcast_in_dim3A_3 : vector<16xf32> to vector<1x16xf32>
            tpu.vector_store %arg8[%swap3A, %swap3A_333], %swap3A_336 {strides = array<i32>} : memref<800x64xf32, #tpu.memory_space<vmem>>, vector<1x16xf32>,
            %swap3A_337 = arith.index_cast %add3A_332 : i32 to index
            %swap3A_338 = arith.constant 16 : index
            %swap3A_339 = tpu.vector_load %arg8[%swap3A_337, %swap3A_338] {strides = array<i32>} : memref<800x64xf32, #tpu.memory_space<vmem>>, vector<1x16xf32>,
            %swap3A_340 = vector.shape_cast %swap3A_339 : vector<1x16xf32> to vector<16xf32>
            %swap3A_341 = vector.shape_cast %broadcast_in_dim3A_3 : vector<16xf32> to vector<1x16xf32>
            tpu.vector_store %arg8[%swap3A_337, %swap3A_338], %swap3A_341 {strides = array<i32>} : memref<800x64xf32, #tpu.memory_space<vmem>>, vector<1x16xf32>,
            %swap3A_342 = arith.index_cast %add3A_332 : i32 to index
            %swap3A_343 = arith.constant 32 : index
            %swap3A_344 = tpu.vector_load %arg8[%swap3A_342, %swap3A_343] {strides = array<i32>} : memref<800x64xf32, #tpu.memory_space<vmem>>, vector<1x16xf32>,
            %swap3A_345 = vector.shape_cast %swap3A_344 : vector<1x16xf32> to vector<16xf32>
            %swap3A_346 = vector.shape_cast %broadcast_in_dim3A_3 : vector<16xf32> to vector<1x16xf32>
            tpu.vector_store %arg8[%swap3A_342, %swap3A_343], %swap3A_346 {strides = array<i32>} : memref<800x64xf32, #tpu.memory_space<vmem>>, vector<1x16xf32>,
            %swap3A_347 = arith.index_cast %add3A_332 : i32 to index
            %swap3A_348 = arith.constant 48 : index
            %swap3A_349 = tpu.vector_load %arg8[%swap3A_347, %swap3A_348] {strides = array<i32>} : memref<800x64xf32, #tpu.memory_space<vmem>>, vector<1x16xf32>,
            %swap3A_350 = vector.shape_cast %swap3A_349 : vector<1x16xf32> to vector<16xf32>
            %swap3A_351 = vector.shape_cast %broadcast_in_dim3A_3 : vector<16xf32> to vector<1x16xf32>
            tpu.vector_store %arg8[%swap3A_347, %swap3A_348], %swap3A_351 {strides = array<i32>} : memref<800x64xf32, #tpu.memory_space<vmem>>, vector<1x16xf32>,
          } else {
          }
          %slice3A_287 = vector.extract_strided_slice %get3A_217 {offsets = [10], sizes = [1], strides = [1]} : vector<16xi32> to vector<1xi32>
          %squeeze3A_288 = vector.extract %slice3A_287[0] : i32 from vector<1xi32>
          %eq3A_289 = arith.constant 0 : i32
          %eq3A_290 = arith.cmpi eq, %squeeze3A_288, %eq3A_289 : i32
          %convert_element_type3A_291 = arith.extui %eq3A_290 : i1 to i32
          %cond3A_292 = arith.constant 0 : i32
          %cond3A_293 = arith.cmpi ne, %convert_element_type3A_291, %cond3A_292 : i32
          scf.if %cond3A_293 {
            %mul3A_329 = arith.constant 16 : i32
            %mul3A_330 = arith.muli %scan3A_213, %mul3A_329 : i32
            %add3A_331 = arith.constant 10 : i32
            %add3A_332 = arith.addi %mul3A_330, %add3A_331 : i32
            %swap3A = arith.index_cast %add3A_332 : i32 to index
            %swap3A_333 = arith.constant 0 : index
            %swap3A_334 = tpu.vector_load %arg8[%swap3A, %swap3A_333] {strides = array<i32>} : memref<800x64xf32, #tpu.memory_space<vmem>>, vector<1x16xf32>,
            %swap3A_335 = vector.shape_cast %swap3A_334 : vector<1x16xf32> to vector<16xf32>
            %swap3A_336 = vector.shape_cast %broadcast_in_dim3A_3 : vector<16xf32> to vector<1x16xf32>
            tpu.vector_store %arg8[%swap3A, %swap3A_333], %swap3A_336 {strides = array<i32>} : memref<800x64xf32, #tpu.memory_space<vmem>>, vector<1x16xf32>,
            %swap3A_337 = arith.index_cast %add3A_332 : i32 to index
            %swap3A_338 = arith.constant 16 : index
            %swap3A_339 = tpu.vector_load %arg8[%swap3A_337, %swap3A_338] {strides = array<i32>} : memref<800x64xf32, #tpu.memory_space<vmem>>, vector<1x16xf32>,
            %swap3A_340 = vector.shape_cast %swap3A_339 : vector<1x16xf32> to vector<16xf32>
            %swap3A_341 = vector.shape_cast %broadcast_in_dim3A_3 : vector<16xf32> to vector<1x16xf32>
            tpu.vector_store %arg8[%swap3A_337, %swap3A_338], %swap3A_341 {strides = array<i32>} : memref<800x64xf32, #tpu.memory_space<vmem>>, vector<1x16xf32>,
            %swap3A_342 = arith.index_cast %add3A_332 : i32 to index
            %swap3A_343 = arith.constant 32 : index
            %swap3A_344 = tpu.vector_load %arg8[%swap3A_342, %swap3A_343] {strides = array<i32>} : memref<800x64xf32, #tpu.memory_space<vmem>>, vector<1x16xf32>,
            %swap3A_345 = vector.shape_cast %swap3A_344 : vector<1x16xf32> to vector<16xf32>
            %swap3A_346 = vector.shape_cast %broadcast_in_dim3A_3 : vector<16xf32> to vector<1x16xf32>
            tpu.vector_store %arg8[%swap3A_342, %swap3A_343], %swap3A_346 {strides = array<i32>} : memref<800x64xf32, #tpu.memory_space<vmem>>, vector<1x16xf32>,
            %swap3A_347 = arith.index_cast %add3A_332 : i32 to index
            %swap3A_348 = arith.constant 48 : index
            %swap3A_349 = tpu.vector_load %arg8[%swap3A_347, %swap3A_348] {strides = array<i32>} : memref<800x64xf32, #tpu.memory_space<vmem>>, vector<1x16xf32>,
            %swap3A_350 = vector.shape_cast %swap3A_349 : vector<1x16xf32> to vector<16xf32>
            %swap3A_351 = vector.shape_cast %broadcast_in_dim3A_3 : vector<16xf32> to vector<1x16xf32>
            tpu.vector_store %arg8[%swap3A_347, %swap3A_348], %swap3A_351 {strides = array<i32>} : memref<800x64xf32, #tpu.memory_space<vmem>>, vector<1x16xf32>,
          } else {
          }
          %slice3A_294 = vector.extract_strided_slice %get3A_217 {offsets = [11], sizes = [1], strides = [1]} : vector<16xi32> to vector<1xi32>
          %squeeze3A_295 = vector.extract %slice3A_294[0] : i32 from vector<1xi32>
          %eq3A_296 = arith.constant 0 : i32
          %eq3A_297 = arith.cmpi eq, %squeeze3A_295, %eq3A_296 : i32
          %convert_element_type3A_298 = arith.extui %eq3A_297 : i1 to i32
          %cond3A_299 = arith.constant 0 : i32
          %cond3A_300 = arith.cmpi ne, %convert_element_type3A_298, %cond3A_299 : i32
          scf.if %cond3A_300 {
            %mul3A_329 = arith.constant 16 : i32
            %mul3A_330 = arith.muli %scan3A_213, %mul3A_329 : i32
            %add3A_331 = arith.constant 11 : i32
            %add3A_332 = arith.addi %mul3A_330, %add3A_331 : i32
            %swap3A = arith.index_cast %add3A_332 : i32 to index
            %swap3A_333 = arith.constant 0 : index
            %swap3A_334 = tpu.vector_load %arg8[%swap3A, %swap3A_333] {strides = array<i32>} : memref<800x64xf32, #tpu.memory_space<vmem>>, vector<1x16xf32>,
            %swap3A_335 = vector.shape_cast %swap3A_334 : vector<1x16xf32> to vector<16xf32>
            %swap3A_336 = vector.shape_cast %broadcast_in_dim3A_3 : vector<16xf32> to vector<1x16xf32>
            tpu.vector_store %arg8[%swap3A, %swap3A_333], %swap3A_336 {strides = array<i32>} : memref<800x64xf32, #tpu.memory_space<vmem>>, vector<1x16xf32>,
            %swap3A_337 = arith.index_cast %add3A_332 : i32 to index
            %swap3A_338 = arith.constant 16 : index
            %swap3A_339 = tpu.vector_load %arg8[%swap3A_337, %swap3A_338] {strides = array<i32>} : memref<800x64xf32, #tpu.memory_space<vmem>>, vector<1x16xf32>,
            %swap3A_340 = vector.shape_cast %swap3A_339 : vector<1x16xf32> to vector<16xf32>
            %swap3A_341 = vector.shape_cast %broadcast_in_dim3A_3 : vector<16xf32> to vector<1x16xf32>
            tpu.vector_store %arg8[%swap3A_337, %swap3A_338], %swap3A_341 {strides = array<i32>} : memref<800x64xf32, #tpu.memory_space<vmem>>, vector<1x16xf32>,
            %swap3A_342 = arith.index_cast %add3A_332 : i32 to index
            %swap3A_343 = arith.constant 32 : index
            %swap3A_344 = tpu.vector_load %arg8[%swap3A_342, %swap3A_343] {strides = array<i32>} : memref<800x64xf32, #tpu.memory_space<vmem>>, vector<1x16xf32>,
            %swap3A_345 = vector.shape_cast %swap3A_344 : vector<1x16xf32> to vector<16xf32>
            %swap3A_346 = vector.shape_cast %broadcast_in_dim3A_3 : vector<16xf32> to vector<1x16xf32>
            tpu.vector_store %arg8[%swap3A_342, %swap3A_343], %swap3A_346 {strides = array<i32>} : memref<800x64xf32, #tpu.memory_space<vmem>>, vector<1x16xf32>,
            %swap3A_347 = arith.index_cast %add3A_332 : i32 to index
            %swap3A_348 = arith.constant 48 : index
            %swap3A_349 = tpu.vector_load %arg8[%swap3A_347, %swap3A_348] {strides = array<i32>} : memref<800x64xf32, #tpu.memory_space<vmem>>, vector<1x16xf32>,
            %swap3A_350 = vector.shape_cast %swap3A_349 : vector<1x16xf32> to vector<16xf32>
            %swap3A_351 = vector.shape_cast %broadcast_in_dim3A_3 : vector<16xf32> to vector<1x16xf32>
            tpu.vector_store %arg8[%swap3A_347, %swap3A_348], %swap3A_351 {strides = array<i32>} : memref<800x64xf32, #tpu.memory_space<vmem>>, vector<1x16xf32>,
          } else {
          }
          %slice3A_301 = vector.extract_strided_slice %get3A_217 {offsets = [12], sizes = [1], strides = [1]} : vector<16xi32> to vector<1xi32>
          %squeeze3A_302 = vector.extract %slice3A_301[0] : i32 from vector<1xi32>
          %eq3A_303 = arith.constant 0 : i32
          %eq3A_304 = arith.cmpi eq, %squeeze3A_302, %eq3A_303 : i32
          %convert_element_type3A_305 = arith.extui %eq3A_304 : i1 to i32
          %cond3A_306 = arith.constant 0 : i32
          %cond3A_307 = arith.cmpi ne, %convert_element_type3A_305, %cond3A_306 : i32
          scf.if %cond3A_307 {
            %mul3A_329 = arith.constant 16 : i32
            %mul3A_330 = arith.muli %scan3A_213, %mul3A_329 : i32
            %add3A_331 = arith.constant 12 : i32
            %add3A_332 = arith.addi %mul3A_330, %add3A_331 : i32
            %swap3A = arith.index_cast %add3A_332 : i32 to index
            %swap3A_333 = arith.constant 0 : index
            %swap3A_334 = tpu.vector_load %arg8[%swap3A, %swap3A_333] {strides = array<i32>} : memref<800x64xf32, #tpu.memory_space<vmem>>, vector<1x16xf32>,
            %swap3A_335 = vector.shape_cast %swap3A_334 : vector<1x16xf32> to vector<16xf32>
            %swap3A_336 = vector.shape_cast %broadcast_in_dim3A_3 : vector<16xf32> to vector<1x16xf32>
            tpu.vector_store %arg8[%swap3A, %swap3A_333], %swap3A_336 {strides = array<i32>} : memref<800x64xf32, #tpu.memory_space<vmem>>, vector<1x16xf32>,
            %swap3A_337 = arith.index_cast %add3A_332 : i32 to index
            %swap3A_338 = arith.constant 16 : index
            %swap3A_339 = tpu.vector_load %arg8[%swap3A_337, %swap3A_338] {strides = array<i32>} : memref<800x64xf32, #tpu.memory_space<vmem>>, vector<1x16xf32>,
            %swap3A_340 = vector.shape_cast %swap3A_339 : vector<1x16xf32> to vector<16xf32>
            %swap3A_341 = vector.shape_cast %broadcast_in_dim3A_3 : vector<16xf32> to vector<1x16xf32>
            tpu.vector_store %arg8[%swap3A_337, %swap3A_338], %swap3A_341 {strides = array<i32>} : memref<800x64xf32, #tpu.memory_space<vmem>>, vector<1x16xf32>,
            %swap3A_342 = arith.index_cast %add3A_332 : i32 to index
            %swap3A_343 = arith.constant 32 : index
            %swap3A_344 = tpu.vector_load %arg8[%swap3A_342, %swap3A_343] {strides = array<i32>} : memref<800x64xf32, #tpu.memory_space<vmem>>, vector<1x16xf32>,
            %swap3A_345 = vector.shape_cast %swap3A_344 : vector<1x16xf32> to vector<16xf32>
            %swap3A_346 = vector.shape_cast %broadcast_in_dim3A_3 : vector<16xf32> to vector<1x16xf32>
            tpu.vector_store %arg8[%swap3A_342, %swap3A_343], %swap3A_346 {strides = array<i32>} : memref<800x64xf32, #tpu.memory_space<vmem>>, vector<1x16xf32>,
            %swap3A_347 = arith.index_cast %add3A_332 : i32 to index
            %swap3A_348 = arith.constant 48 : index
            %swap3A_349 = tpu.vector_load %arg8[%swap3A_347, %swap3A_348] {strides = array<i32>} : memref<800x64xf32, #tpu.memory_space<vmem>>, vector<1x16xf32>,
            %swap3A_350 = vector.shape_cast %swap3A_349 : vector<1x16xf32> to vector<16xf32>
            %swap3A_351 = vector.shape_cast %broadcast_in_dim3A_3 : vector<16xf32> to vector<1x16xf32>
            tpu.vector_store %arg8[%swap3A_347, %swap3A_348], %swap3A_351 {strides = array<i32>} : memref<800x64xf32, #tpu.memory_space<vmem>>, vector<1x16xf32>,
          } else {
          }
          %slice3A_308 = vector.extract_strided_slice %get3A_217 {offsets = [13], sizes = [1], strides = [1]} : vector<16xi32> to vector<1xi32>
          %squeeze3A_309 = vector.extract %slice3A_308[0] : i32 from vector<1xi32>
          %eq3A_310 = arith.constant 0 : i32
          %eq3A_311 = arith.cmpi eq, %squeeze3A_309, %eq3A_310 : i32
          %convert_element_type3A_312 = arith.extui %eq3A_311 : i1 to i32
          %cond3A_313 = arith.constant 0 : i32
          %cond3A_314 = arith.cmpi ne, %convert_element_type3A_312, %cond3A_313 : i32
          scf.if %cond3A_314 {
            %mul3A_329 = arith.constant 16 : i32
            %mul3A_330 = arith.muli %scan3A_213, %mul3A_329 : i32
            %add3A_331 = arith.constant 13 : i32
            %add3A_332 = arith.addi %mul3A_330, %add3A_331 : i32
            %swap3A = arith.index_cast %add3A_332 : i32 to index
            %swap3A_333 = arith.constant 0 : index
            %swap3A_334 = tpu.vector_load %arg8[%swap3A, %swap3A_333] {strides = array<i32>} : memref<800x64xf32, #tpu.memory_space<vmem>>, vector<1x16xf32>,
            %swap3A_335 = vector.shape_cast %swap3A_334 : vector<1x16xf32> to vector<16xf32>
            %swap3A_336 = vector.shape_cast %broadcast_in_dim3A_3 : vector<16xf32> to vector<1x16xf32>
            tpu.vector_store %arg8[%swap3A, %swap3A_333], %swap3A_336 {strides = array<i32>} : memref<800x64xf32, #tpu.memory_space<vmem>>, vector<1x16xf32>,
            %swap3A_337 = arith.index_cast %add3A_332 : i32 to index
            %swap3A_338 = arith.constant 16 : index
            %swap3A_339 = tpu.vector_load %arg8[%swap3A_337, %swap3A_338] {strides = array<i32>} : memref<800x64xf32, #tpu.memory_space<vmem>>, vector<1x16xf32>,
            %swap3A_340 = vector.shape_cast %swap3A_339 : vector<1x16xf32> to vector<16xf32>
            %swap3A_341 = vector.shape_cast %broadcast_in_dim3A_3 : vector<16xf32> to vector<1x16xf32>
            tpu.vector_store %arg8[%swap3A_337, %swap3A_338], %swap3A_341 {strides = array<i32>} : memref<800x64xf32, #tpu.memory_space<vmem>>, vector<1x16xf32>,
            %swap3A_342 = arith.index_cast %add3A_332 : i32 to index
            %swap3A_343 = arith.constant 32 : index
            %swap3A_344 = tpu.vector_load %arg8[%swap3A_342, %swap3A_343] {strides = array<i32>} : memref<800x64xf32, #tpu.memory_space<vmem>>, vector<1x16xf32>,
            %swap3A_345 = vector.shape_cast %swap3A_344 : vector<1x16xf32> to vector<16xf32>
            %swap3A_346 = vector.shape_cast %broadcast_in_dim3A_3 : vector<16xf32> to vector<1x16xf32>
            tpu.vector_store %arg8[%swap3A_342, %swap3A_343], %swap3A_346 {strides = array<i32>} : memref<800x64xf32, #tpu.memory_space<vmem>>, vector<1x16xf32>,
            %swap3A_347 = arith.index_cast %add3A_332 : i32 to index
            %swap3A_348 = arith.constant 48 : index
            %swap3A_349 = tpu.vector_load %arg8[%swap3A_347, %swap3A_348] {strides = array<i32>} : memref<800x64xf32, #tpu.memory_space<vmem>>, vector<1x16xf32>,
            %swap3A_350 = vector.shape_cast %swap3A_349 : vector<1x16xf32> to vector<16xf32>
            %swap3A_351 = vector.shape_cast %broadcast_in_dim3A_3 : vector<16xf32> to vector<1x16xf32>
            tpu.vector_store %arg8[%swap3A_347, %swap3A_348], %swap3A_351 {strides = array<i32>} : memref<800x64xf32, #tpu.memory_space<vmem>>, vector<1x16xf32>,
          } else {
          }
          %slice3A_315 = vector.extract_strided_slice %get3A_217 {offsets = [14], sizes = [1], strides = [1]} : vector<16xi32> to vector<1xi32>
          %squeeze3A_316 = vector.extract %slice3A_315[0] : i32 from vector<1xi32>
          %eq3A_317 = arith.constant 0 : i32
          %eq3A_318 = arith.cmpi eq, %squeeze3A_316, %eq3A_317 : i32
          %convert_element_type3A_319 = arith.extui %eq3A_318 : i1 to i32
          %cond3A_320 = arith.constant 0 : i32
          %cond3A_321 = arith.cmpi ne, %convert_element_type3A_319, %cond3A_320 : i32
          scf.if %cond3A_321 {
            %mul3A_329 = arith.constant 16 : i32
            %mul3A_330 = arith.muli %scan3A_213, %mul3A_329 : i32
            %add3A_331 = arith.constant 14 : i32
            %add3A_332 = arith.addi %mul3A_330, %add3A_331 : i32
            %swap3A = arith.index_cast %add3A_332 : i32 to index
            %swap3A_333 = arith.constant 0 : index
            %swap3A_334 = tpu.vector_load %arg8[%swap3A, %swap3A_333] {strides = array<i32>} : memref<800x64xf32, #tpu.memory_space<vmem>>, vector<1x16xf32>,
            %swap3A_335 = vector.shape_cast %swap3A_334 : vector<1x16xf32> to vector<16xf32>
            %swap3A_336 = vector.shape_cast %broadcast_in_dim3A_3 : vector<16xf32> to vector<1x16xf32>
            tpu.vector_store %arg8[%swap3A, %swap3A_333], %swap3A_336 {strides = array<i32>} : memref<800x64xf32, #tpu.memory_space<vmem>>, vector<1x16xf32>,
            %swap3A_337 = arith.index_cast %add3A_332 : i32 to index
            %swap3A_338 = arith.constant 16 : index
            %swap3A_339 = tpu.vector_load %arg8[%swap3A_337, %swap3A_338] {strides = array<i32>} : memref<800x64xf32, #tpu.memory_space<vmem>>, vector<1x16xf32>,
            %swap3A_340 = vector.shape_cast %swap3A_339 : vector<1x16xf32> to vector<16xf32>
            %swap3A_341 = vector.shape_cast %broadcast_in_dim3A_3 : vector<16xf32> to vector<1x16xf32>
            tpu.vector_store %arg8[%swap3A_337, %swap3A_338], %swap3A_341 {strides = array<i32>} : memref<800x64xf32, #tpu.memory_space<vmem>>, vector<1x16xf32>,
            %swap3A_342 = arith.index_cast %add3A_332 : i32 to index
            %swap3A_343 = arith.constant 32 : index
            %swap3A_344 = tpu.vector_load %arg8[%swap3A_342, %swap3A_343] {strides = array<i32>} : memref<800x64xf32, #tpu.memory_space<vmem>>, vector<1x16xf32>,
            %swap3A_345 = vector.shape_cast %swap3A_344 : vector<1x16xf32> to vector<16xf32>
            %swap3A_346 = vector.shape_cast %broadcast_in_dim3A_3 : vector<16xf32> to vector<1x16xf32>
            tpu.vector_store %arg8[%swap3A_342, %swap3A_343], %swap3A_346 {strides = array<i32>} : memref<800x64xf32, #tpu.memory_space<vmem>>, vector<1x16xf32>,
            %swap3A_347 = arith.index_cast %add3A_332 : i32 to index
            %swap3A_348 = arith.constant 48 : index
            %swap3A_349 = tpu.vector_load %arg8[%swap3A_347, %swap3A_348] {strides = array<i32>} : memref<800x64xf32, #tpu.memory_space<vmem>>, vector<1x16xf32>,
            %swap3A_350 = vector.shape_cast %swap3A_349 : vector<1x16xf32> to vector<16xf32>
            %swap3A_351 = vector.shape_cast %broadcast_in_dim3A_3 : vector<16xf32> to vector<1x16xf32>
            tpu.vector_store %arg8[%swap3A_347, %swap3A_348], %swap3A_351 {strides = array<i32>} : memref<800x64xf32, #tpu.memory_space<vmem>>, vector<1x16xf32>,
          } else {
          }
          %slice3A_322 = vector.extract_strided_slice %get3A_217 {offsets = [15], sizes = [1], strides = [1]} : vector<16xi32> to vector<1xi32>
          %squeeze3A_323 = vector.extract %slice3A_322[0] : i32 from vector<1xi32>
          %eq3A_324 = arith.constant 0 : i32
          %eq3A_325 = arith.cmpi eq, %squeeze3A_323, %eq3A_324 : i32
          %convert_element_type3A_326 = arith.extui %eq3A_325 : i1 to i32
          %cond3A_327 = arith.constant 0 : i32
          %cond3A_328 = arith.cmpi ne, %convert_element_type3A_326, %cond3A_327 : i32
          scf.if %cond3A_328 {
            %mul3A_329 = arith.constant 16 : i32
            %mul3A_330 = arith.muli %scan3A_213, %mul3A_329 : i32
            %add3A_331 = arith.constant 15 : i32
            %add3A_332 = arith.addi %mul3A_330, %add3A_331 : i32
            %swap3A = arith.index_cast %add3A_332 : i32 to index
            %swap3A_333 = arith.constant 0 : index
            %swap3A_334 = tpu.vector_load %arg8[%swap3A, %swap3A_333] {strides = array<i32>} : memref<800x64xf32, #tpu.memory_space<vmem>>, vector<1x16xf32>,
            %swap3A_335 = vector.shape_cast %swap3A_334 : vector<1x16xf32> to vector<16xf32>
            %swap3A_336 = vector.shape_cast %broadcast_in_dim3A_3 : vector<16xf32> to vector<1x16xf32>
            tpu.vector_store %arg8[%swap3A, %swap3A_333], %swap3A_336 {strides = array<i32>} : memref<800x64xf32, #tpu.memory_space<vmem>>, vector<1x16xf32>,
            %swap3A_337 = arith.index_cast %add3A_332 : i32 to index
            %swap3A_338 = arith.constant 16 : index
            %swap3A_339 = tpu.vector_load %arg8[%swap3A_337, %swap3A_338] {strides = array<i32>} : memref<800x64xf32, #tpu.memory_space<vmem>>, vector<1x16xf32>,
            %swap3A_340 = vector.shape_cast %swap3A_339 : vector<1x16xf32> to vector<16xf32>
            %swap3A_341 = vector.shape_cast %broadcast_in_dim3A_3 : vector<16xf32> to vector<1x16xf32>
            tpu.vector_store %arg8[%swap3A_337, %swap3A_338], %swap3A_341 {strides = array<i32>} : memref<800x64xf32, #tpu.memory_space<vmem>>, vector<1x16xf32>,
            %swap3A_342 = arith.index_cast %add3A_332 : i32 to index
            %swap3A_343 = arith.constant 32 : index
            %swap3A_344 = tpu.vector_load %arg8[%swap3A_342, %swap3A_343] {strides = array<i32>} : memref<800x64xf32, #tpu.memory_space<vmem>>, vector<1x16xf32>,
            %swap3A_345 = vector.shape_cast %swap3A_344 : vector<1x16xf32> to vector<16xf32>
            %swap3A_346 = vector.shape_cast %broadcast_in_dim3A_3 : vector<16xf32> to vector<1x16xf32>
            tpu.vector_store %arg8[%swap3A_342, %swap3A_343], %swap3A_346 {strides = array<i32>} : memref<800x64xf32, #tpu.memory_space<vmem>>, vector<1x16xf32>,
            %swap3A_347 = arith.index_cast %add3A_332 : i32 to index
            %swap3A_348 = arith.constant 48 : index
            %swap3A_349 = tpu.vector_load %arg8[%swap3A_347, %swap3A_348] {strides = array<i32>} : memref<800x64xf32, #tpu.memory_space<vmem>>, vector<1x16xf32>,
            %swap3A_350 = vector.shape_cast %swap3A_349 : vector<1x16xf32> to vector<16xf32>
            %swap3A_351 = vector.shape_cast %broadcast_in_dim3A_3 : vector<16xf32> to vector<1x16xf32>
            tpu.vector_store %arg8[%swap3A_347, %swap3A_348], %swap3A_351 {strides = array<i32>} : memref<800x64xf32, #tpu.memory_space<vmem>>, vector<1x16xf32>,
          } else {
          }
        }
        %scan3A_212 = arith.constant 50 : i32
      } else {
      }
      %ge3A_181 = arith.constant 1 : i32
      %ge3A_182 = arith.cmpi sge, %add3A_117, %ge3A_181 : i32
      %convert_element_type3A_183 = arith.extui %ge3A_182 : i1 to i32
      %cond3A_184 = arith.constant 0 : i32
      %cond3A_185 = arith.cmpi ne, %convert_element_type3A_183, %cond3A_184 : i32
      scf.if %cond3A_185 {
        %dma_wait3A_207 = arith.constant 0 : i32
        %dma_wait3A_208 = arith.constant 0 : i32
        %dma_wait3A_209 = tpu.memref_slice %arg4[%dma_wait3A_207, %dma_wait3A_208] : memref<819200x64xf32, #tpu.memory_space<hbm>> -> memref<800x64xf32, #tpu.memory_space<hbm>>
        %dma_wait3A_210 = arith.constant 0 : i32
        %dma_wait3A_211 = arith.constant 0 : i32
        %dma_wait3A_212 = tpu.memref_slice %arg4[%dma_wait3A_210, %dma_wait3A_211] : memref<819200x64xf32, #tpu.memory_space<hbm>> -> memref<800x64xf32, #tpu.memory_space<hbm>>
        tpu.wait_dma2 semaphore(%arg13 : memref<!tpu.dma_semaphore, #tpu.memory_space<semaphore_mem>>) src(%arg7 : memref<800x64xf32, #tpu.memory_space<vmem>>) dst(%dma_wait3A_212 : memref<800x64xf32, #tpu.memory_space<hbm>>)
      } else {
      }
      %mul3A_186 = arith.constant 800 : i32
      %mul3A_187 = arith.muli %add3A_117, %mul3A_186 : i32
      %add3A_188 = arith.addi %mul3A_2, %mul3A_187 : i32
      %dma_start3A_189 = arith.constant 0 : i32
      %dma_start3A_190 = tpu.memref_slice %arg4[%add3A_188, %dma_start3A_189] : memref<819200x64xf32, #tpu.memory_space<hbm>> -> memref<800x64xf32, #tpu.memory_space<hbm>>
      %dma_start3A_191 = arith.constant 0 : i32
      %dma_start3A_192 = tpu.memref_slice %arg4[%add3A_188, %dma_start3A_191] : memref<819200x64xf32, #tpu.memory_space<hbm>> -> memref<800x64xf32, #tpu.memory_space<hbm>>
      tpu.enqueue_dma source(%arg8 : memref<800x64xf32, #tpu.memory_space<vmem>>) target(%dma_start3A_192 : memref<800x64xf32, #tpu.memory_space<hbm>>) target_semaphore(%arg14 : memref<!tpu.dma_semaphore, #tpu.memory_space<semaphore_mem>>)
      %add3A_193 = arith.constant 1 : i32
      %add3A_194 = arith.addi %add3A_117, %add3A_193 : i32
      %lt3A_195 = arith.constant 32 : i32
      %lt3A_196 = arith.cmpi slt, %add3A_194, %lt3A_195 : i32
      %convert_element_type3A_197 = arith.extui %lt3A_196 : i1 to i32
      %cond3A_198 = arith.constant 0 : i32
      %cond3A_199 = arith.cmpi ne, %convert_element_type3A_197, %cond3A_198 : i32
      scf.if %cond3A_199 {
        %dma_wait3A_207 = arith.constant 0 : i32
        %dma_wait3A_208 = tpu.memref_slice %arg2[%dma_wait3A_207] : memref<819200xi32, #tpu.memory_space<hbm>> -> memref<800xi32, #tpu.memory_space<hbm>>
        %dma_wait3A_209 = arith.constant 0 : i32
        %dma_wait3A_210 = tpu.memref_slice %arg2[%dma_wait3A_209] : memref<819200xi32, #tpu.memory_space<hbm>> -> memref<800xi32, #tpu.memory_space<hbm>>
        tpu.wait_dma2 semaphore(%arg9 : memref<!tpu.dma_semaphore, #tpu.memory_space<semaphore_mem>>) src(%dma_wait3A_210 : memref<800xi32, #tpu.memory_space<hbm>>) dst(%arg5 : memref<800xi32, #tpu.memory_space<vmem>>)
        %dma_start3A_211 = arith.constant 0 : i32
        %dma_start3A_212 = arith.constant 0 : i32
        %dma_start3A_213 = tpu.memref_slice %arg3[%dma_start3A_211, %dma_start3A_212] : memref<1000000x64xf32, #tpu.memory_space<hbm>> -> memref<1000000x64xf32, #tpu.memory_space<hbm>>
        tpu.enqueue_indirect_dma source(%dma_start3A_213 : memref<1000000x64xf32, #tpu.memory_space<hbm>>) target(%arg7 : memref<800x64xf32, #tpu.memory_space<vmem>>) offsets(%arg5 : memref<800xi32, #tpu.memory_space<vmem>>) semaphore(%arg11 : memref<!tpu.dma_semaphore, #tpu.memory_space<semaphore_mem>>)
      } else {
      }
      %add3A_200 = arith.constant 2 : i32
      %add3A_201 = arith.addi %add3A_117, %add3A_200 : i32
      %lt3A_202 = arith.constant 32 : i32
      %lt3A_203 = arith.cmpi slt, %add3A_201, %lt3A_202 : i32
      %convert_element_type3A_204 = arith.extui %lt3A_203 : i1 to i32
      %cond3A_205 = arith.constant 0 : i32
      %cond3A_206 = arith.cmpi ne, %convert_element_type3A_204, %cond3A_205 : i32
      scf.if %cond3A_206 {
        %add3A_207 = arith.constant 2 : i32
        %add3A_208 = arith.addi %add3A_117, %add3A_207 : i32
        %mul3A_209 = arith.constant 800 : i32
        %mul3A_210 = arith.muli %add3A_208, %mul3A_209 : i32
        %add3A_211 = arith.addi %mul3A_2, %mul3A_210 : i32
        %dma_start3A_212 = tpu.memref_slice %arg2[%add3A_211] : memref<819200xi32, #tpu.memory_space<hbm>> -> memref<800xi32, #tpu.memory_space<hbm>>
        %dma_start3A_213 = tpu.memref_slice %arg2[%add3A_211] : memref<819200xi32, #tpu.memory_space<hbm>> -> memref<800xi32, #tpu.memory_space<hbm>>
        tpu.enqueue_dma source(%dma_start3A_213 : memref<800xi32, #tpu.memory_space<hbm>>) target(%arg6 : memref<800xi32, #tpu.memory_space<vmem>>) target_semaphore(%arg10 : memref<!tpu.dma_semaphore, #tpu.memory_space<semaphore_mem>>)
      } else {
      }
    }
    %scan3A_21 = arith.constant 16 : i32
    %dma_wait3A_22 = arith.constant 0 : i32
    %dma_wait3A_23 = arith.constant 0 : i32
    %dma_wait3A_24 = tpu.memref_slice %arg4[%dma_wait3A_22, %dma_wait3A_23] : memref<819200x64xf32, #tpu.memory_space<hbm>> -> memref<800x64xf32, #tpu.memory_space<hbm>>
    %dma_wait3A_25 = arith.constant 0 : i32
    %dma_wait3A_26 = arith.constant 0 : i32
    %dma_wait3A_27 = tpu.memref_slice %arg4[%dma_wait3A_25, %dma_wait3A_26] : memref<819200x64xf32, #tpu.memory_space<hbm>> -> memref<800x64xf32, #tpu.memory_space<hbm>>
    tpu.wait_dma2 semaphore(%arg14 : memref<!tpu.dma_semaphore, #tpu.memory_space<semaphore_mem>>) src(%arg8 : memref<800x64xf32, #tpu.memory_space<vmem>>) dst(%dma_wait3A_27 : memref<800x64xf32, #tpu.memory_space<hbm>>)
    return
  }
}

</mosaic_0001>

<sc_bundles>
// kernel: kernel.3.cloned.1.call-start
scs
__scs_entry_jumppad:
0x0: {  	(pc) =	sbr.rel $0x88, $3  }
0x1: {  	(tag) =	ssettag $0x0;
	lr =	simm.s32 $0x1  }
0x2: {  	[smem:$0x3F9F] =	sst lr;
	_ =	strace $0xD0000000  }
0x3: {  	_ = 	snop  }
0x4: {  	_ = 	snop  }
0x5: {  	_ = 	snop  }
0x6: {  	_ = 	snop  }
0x7: {  	_ = 	snop  }
__scs_overlays_trampoline_lowered:
0x8: {  	[smem:$0x3FAE] =	sst s0  }
0x9: {  	[smem:$0x3FAF] =	sst s1  }
0xa: {  	[smem:$0x3FB0] =	sst s2  }
0xb: {  	[smem:$0x3FB1] =	sst s3  }
0xc: {  	[smem:$0x3FB2] =	sst s4  }
0xd: {  	[smem:$0x3FB3] =	sst s5  }
0xe: {  	[smem:$0x3FB4] =	sst s6  }
0xf: {  	[smem:$0x3FB5] =	sst s7  }
0x10: {  	[smem:$0x3FB6] =	sst s8  }
0x11: {  	[smem:$0x3FB7] =	sst s9;
	s0 =	simm.s32 @!p0 $0x0  }
0x12: {  	s1 =	sld [smem:$0x3F9D];
	s0 =	simm.s32 @p0 $0x1  }
0x13: {  	[smem:$0x3FB8] =	sst s0;
	s0 =	simm.s32 @!p1 $0x0  }
0x14: {  	s2 =	sld [smem:$0x3F9C];
	s0 =	simm.s32 @p1 $0x1  }
0x15: {  	[smem:$0x3FB9] =	sst s0;
	s0 =	simm.s32 @!p2 $0x0  }
0x16: {  	s3 =	sld [smem:$0x3FDB];
	s0 =	simm.s32 @p2 $0x1  }
0x17: {  	s4 =	simm.s32 $0x1BF5;
	[smem:$0x3FBB] =	sst s0  }
0x18: {  	s0 =	sld [smem:$0x3F9E];
	_ =	swait.ge [sflag:s4], $0x0  }
0x19: {  	s7 =	sld [smem:$0x3F9F]  }
0x1a: {  	s8 =	sadd.s32 $0xFFFFE003, lr  }
0x1b: {  	s9 =	sadd.s32 $0xFFFFFEF7, lr;
	s5 =	simm.s32 $0xFFFFFFFF;
	p2 =	slt.u32 s8, $0xFFFFF086  }
0x1c: {  	p1 =	slt.u32 s9, $0xF7A;
	s5 =	simm.s32 @!p2 $0x0  }
0x1d: {  	s5 =	simm.s32 @p1 $0x1;
	p0 =	seq.s32 s7, s2  }
0x1e: {  	s7 =	smul.u32 @!p0 $0xF7A, s2;
	p2 =	seq.s32 @!p0 s5, $0x0  }
0x1f: {  	s9 =	smul.u32 $0xF7A, s1;
	s8 =	simm.s32 @!p0 $0x1BF5;
	p2 =	por !p2, p0  }
0x20: {  	[sflag:s8] =	ssyncset.s32 @!p0 $0xFFFFF086;
	s6 =	sadd.s32 @!p0 s3, s7;
	s7 =	simm.s32 @!p0 $0x108  }
0x21: {  	s3 =	sadd.s32 s3, s9;
	s6 =	sadd.s32 @!p0 $0x88, s6;
	s7 =	simm.s32 @p2 $0x1082  }
0x22: {  	[simem:s7], [sflag:s8] =	dma.local @!p0 [hbm:s6], $0xF7A  }
0x23: {  	s9 =	sor.u32 $0xD0000000, s2;
	s6 =	simm.s32 $0x108;
	_ =	swait.ge @!p0 [sflag:s8], $0x0  }
0x24: {  	s3 =	sadd.s32 $0x88, s3;
	s6 =	simm.s32 @!p1 $0x1082;
	[sflag:s4] =	ssyncset.s32 $0xFFFFF086  }
0x25: {  	[simem:s6], [sflag:s4] =	dma.local [hbm:s3], $0xF7A  }
0x26: {  	[smem:$0x3F9F] =	sst s1;
	(tag) =	ssettag s2;
	_ =	strace s9  }
0x27: {  	s1 =	sld [smem:$0x3FAF]  }
0x28: {  	s2 =	sld [smem:$0x3FB0]  }
0x29: {  	s4 =	sld [smem:$0x3FB2]  }
0x2a: {  	p0 =	seq.s32 s5, $0x0;
	s5 =	sld [smem:$0x3FB3]  }
0x2b: {  	s6 =	sld [smem:$0x3FB4]  }
0x2c: {  	s7 =	sld [smem:$0x3FB5]  }
0x2d: {  	s3 =	simm.s32 $0x108;
	s8 =	sld [smem:$0x3FB6]  }
0x2e: {  	s3 =	simm.s32 @!p0 $0x1082;
	s9 =	sld [smem:$0x3FB7]  }
0x2f: {  	lr =	sadd.s32 s0, s3;
	s0 =	sld [smem:$0x3FAE]  }
0x30: {  	s3 =	sld [smem:$0x3FB1]  }
0x31: {  	[smem:$0x3FBA] =	sst s10  }
0x32: {  	s10 =	sld [smem:$0x3FB8];
	_ =	sdelay $0x3  }
0x33: {  	p0 =	seq.s32 s10, $0x1;
	s10 =	sld [smem:$0x3FBA];
	_ =	sdelay $0x3  }
0x34: {  	[smem:$0x3FBA] =	sst s10  }
0x35: {  	s10 =	sld [smem:$0x3FB9];
	_ =	sdelay $0x3  }
0x36: {  	p1 =	seq.s32 s10, $0x1;
	s10 =	sld [smem:$0x3FBA];
	_ =	sdelay $0x3  }
0x37: {  	[smem:$0x3FBA] =	sst s10  }
0x38: {  	s10 =	sld [smem:$0x3FBB]  }
0x39: {  	_ = 	snop;
	(pc) =	sbr.ind lr, $3  }
0x3a: {  	_ = 	snop  }
0x3b: {  	_ = 	snop  }
0x3c: {  	p2 =	seq.s32 s10, $0x1;
	s10 =	sld [smem:$0x3FBA]  }
0x3d: {  	_ =	shalt  }
0x3e: {  	_ =	shalt  }
0x3f: {  	_ =	shalt  }
0x40: {  	_ =	shalt  }
0x41: {  	_ =	shalt  }
0x42: {  	_ =	shalt  }
0x43: {  	_ =	shalt  }
0x44: {  	_ =	shalt  }
0x45: {  	_ =	shalt  }
0x46: {  	_ =	shalt  }
0x47: {  	_ =	shalt  }
0x48: {  	_ =	shalt  }
0x49: {  	_ =	shalt  }
0x4a: {  	_ =	shalt  }
0x4b: {  	_ =	shalt  }
0x4c: {  	_ =	shalt  }
0x4d: {  	_ =	shalt  }
0x4e: {  	_ =	shalt  }
0x4f: {  	_ =	shalt  }
0x50: {  	_ =	shalt  }
0x51: {  	_ =	shalt  }
0x52: {  	_ =	shalt  }
0x53: {  	_ =	shalt  }
0x54: {  	_ =	shalt  }
0x55: {  	_ =	shalt  }
0x56: {  	_ =	shalt  }
0x57: {  	_ =	shalt  }
0x58: {  	_ =	shalt  }
0x59: {  	_ =	shalt  }
0x5a: {  	_ =	shalt  }
0x5b: {  	_ =	shalt  }
0x5c: {  	_ =	shalt  }
0x5d: {  	_ =	shalt  }
0x5e: {  	_ =	shalt  }
0x5f: {  	_ =	shalt  }
0x60: {  	_ =	shalt  }
0x61: {  	_ =	shalt  }
0x62: {  	_ =	shalt  }
0x63: {  	_ =	shalt  }
0x64: {  	_ =	shalt  }
0x65: {  	_ =	shalt  }
0x66: {  	_ =	shalt  }
0x67: {  	_ =	shalt  }
0x68: {  	_ =	shalt  }
0x69: {  	_ =	shalt  }
0x6a: {  	_ =	shalt  }
0x6b: {  	_ =	shalt  }
0x6c: {  	_ =	shalt  }
0x6d: {  	_ =	shalt  }
0x6e: {  	_ =	shalt  }
0x6f: {  	_ =	shalt  }
0x70: {  	_ =	shalt  }
0x71: {  	_ =	shalt  }
0x72: {  	_ =	shalt  }
0x73: {  	_ =	shalt  }
0x74: {  	_ =	shalt  }
0x75: {  	_ =	shalt  }
0x76: {  	_ =	shalt  }
0x77: {  	_ =	shalt  }
0x78: {  	_ =	shalt  }
0x79: {  	_ =	shalt  }
0x7a: {  	_ =	shalt  }
0x7b: {  	_ =	shalt  }
0x7c: {  	_ =	shalt  }
0x7d: {  	_ =	shalt  }
0x7e: {  	_ =	shalt  }
0x7f: {  	_ =	shalt  }
0x80: {  	_ =	shalt  }
0x81: {  	_ =	shalt  }
0x82: {  	_ =	shalt  }
0x83: {  	_ =	shalt  }
0x84: {  	_ =	shalt  }
0x85: {  	_ =	shalt  }
0x86: {  	_ =	shalt  }
0x87: {  	_ =	shalt  }
.Lfunc_end0:
.L_simem_size_0:
called_computation.1_lowered:
.L_overlay_start_0:
0x88: {  	s2 =	sld [smem:$0x3FD9]  }
0x89: {  	s3 =	sld [smem:$0x3FFE];
	_ =	sdelay $0x1  }
0x8a: {  	s1 =	srdreg.scid  }
0x8b: {  	s0 =	sand.u32 $0x1, s1  }
0x8c: {  	s17 =	sshll.u32 s0, $0xA;
	s2 =	sadd.s32 s3, s2  }
0x8d: {  	s2 =	sadd.s32 s2, s17  }
0x8e: {  	[smem:$0x3FC6] =	sst s2  }
0x8f: {  	_ = 	snop  }
0x90: {  	s2 =	sld [smem:$0x3FD0];
	(tm) =	ssettm $0x1  }
0x91: {  	s18 =	sld [smem:$0x3FFB];
	_ =	sdelay $0x3  }
0x92: {  	_ =	strace s18  }
0x93: {  	s3 =	sld [smem:$0x3FFC];
	_ =	sdelay $0x3  }
0x94: {  	_ =	strace s3  }
0x95: {  	s3 =	sld [smem:$0x3FFD];
	_ =	sdelay $0x3  }
0x96: {  	_ =	strace s3  }
0x97: {  	_ =	strace $0x8FFFFFFF  }
0x98: {  	s19 =	sld [smem:$0x3FDB];
	_ =	sdelay $0x1  }
0x99: {  	s4 =	simm.s32 $_scs_section_size  }
0x9a: {  	s5 =	simm.s32 $_size__tile_overlayer_lowered;
	s6 =	simm.s32 $_tile_overlayer_lowered  }
0x9b: {  	s22 =	simm.s32 $0x1BFF;
	s21 =	sshll.u32 s6, $0x1;
	s3 =	sadd.s32 s4, s19  }
0x9c: {  	s7 =	simm.s32 $0x0;
	s20 =	sshll.u32 s5, $0x1;
	s5 =	sadd.s32 s21, s3  }
0x9d: {  	[timem:s7], [sflag:s22] =	dma.local [hbm:s5], s20  }
0x9e: {  	_ =	swait.ge [sflag:s22], s20  }
0x9f: {  	s4 =	ssub.s32 $0x0, s20;
	[sflag:s22] =	ssyncset.done $0x0  }
0xa0: {  	[sflag:s22] =	ssyncadd.s32 s4;
	_ =	sdelay $0x1  }
0xa1: {  	s23 =	simm.s32 $0x1B8B  }
0xa2: {  	_ =	swait.ge [sflag:s23], $0x1  }
0xa3: {  	[sflag:s23] =	ssyncset.done $0x0  }
0xa4: {  	s25 =	simm.s32 $0x1B8E;
	s24 =	sld [smem:$0x3FFE];
	[sflag:s23] =	ssyncadd.s32 $0xFFFFFFFF  }
0xa5: {  	s26 =	simm.s32 $execute0_lowered;
	[smem:$0x3FD2] =	sst s25  }
0xa6: {  	s5 =	sshll.u32 s26, $0x1;
	_ =	strace $0x80000046;
	[dreg:$0x1] =	wrdreg $0xFFFFFFFF  }
0xa7: {  	s28 =	simm.s32 $_size_execute0_lowered;
	s3 =	sadd.s32 s3, s5;
	[dreg:$0x0] =	wrdreg $0x0  }
0xa8: {  	s5 =	sshll.u32 s28, $0x1;
	[dreg:$0x2] =	wrdreg s3  }
0xa9: {  	[dreg:$0x3] =	wrdreg s5  }
0xaa: {  	[dreg:$0x4] =	wrdreg $0xC0  }
0xab: {  	_ =	task [dreg:s7], $0x5FFFF  }
0xac: {  	[dreg:$0x1] =	wrdreg $0xFFFFFFFF  }
0xad: {  	[dreg:$0x0] =	wrdreg $0x60  }
0xae: {  	[dreg:$0x2] =	wrdreg s24  }
0xaf: {  	[dreg:$0x3] =	wrdreg s2  }
0xb0: {  	[dreg:$0x4] =	wrdreg $0x9  }
0xb1: {  	_ =	task.clear_ibuf [dreg:s7], $0x5FFFF;
	_ =	strace $0x90000046  }
0xb2: {  	s29 =	simm.s32 $0x9;
	_ =	strace $0x80000048  }
0xb3: {  	_ =	swait.ge [sflag:s29], $0x1  }
0xb4: {  	[sflag:s29] =	ssyncadd.s32 $0xFFFFFFFF  }
0xb5: {  	_ =	strace $0x90000048  }
0xb6: {  	_ =	sfence  }
0xb7: {  	s30 =	sld [smem:$0x0];
	_ =	sdelay $0x2  }
0xb8: {  	s31 =	sshll.u32 s1, $0xD;
	s1 =	sshrl.u32 s1, $0x2  }
0xb9: {  	s3 =	sand.u32 $0x4000, s31;
	s1 =	sadd.s32 s1, s30  }
0xba: {  	s0 =	sor.u32 s3, s0;
	s1 =	sshll.u32 s1, $0x11  }
0xbb: {  	s0 =	sor.u32 s1, s0  }
0xbc: {  	s0 =	sadd.s32 $0x8F2B, s0  }
0xbd: {  	[sflag:s0] =	ssyncadd.remote.s32 $0x1  }
0xbe: {  	_ =	sfence.sel $0xFFFF  }
0xbf: {  	[dreg:$0x0] =	wrdreg $0xFFFFFFFF;
	(pc) =	sbr.abs _section_cstart, $3  }
0xc0: {  	[dreg:$0x1] =	wrdreg $0xFFFFFFFF  }
0xc1: {  	_ =	task.clear_ibuf [dreg:s7], $0x2FFFF;
	_ =	strace $0x9FFFFFFF  }
0xc2: {  	(tm) =	ssettm $0x7FFFFFFF  }
0xc3: {  	_ =	shalt  }
tec
execute0_lowered:
.L_overlay_start_1:
0x0: {  	(tag) =	ssettag $0x1  }
0x1: {  	s6 =	rddreg [dreg:$0x0];
	s1 =	srdreg.scid  }
0x2: {  	s0 =	stileid.u32;
	s2 =	rddreg [dreg:$0x1];
	s3 =	simm.s32 $0x0  }
0x3: {  	s13 =	simm.s32 $0x320;
	s14 =	simm.s32 $0x1;
	s15 =	simm.s32 $0x640  }
0x4: {  	s16 =	simm.s32 $0x3;
	s17 =	simm.s32 $0x2;
	s18 =	simm.s32 $0xCE40  }
0x5: {  	s19 =	simm.s32 $0x4;
	s5 =	sand.u32 $0x1, s1;
	s4 =	sshll.u32 s0, $0x1  }
0x6: {  	s20 =	simm.s32 $0x5;
	s21 =	simm.s32 $0x6;
	s4 =	sor.u32 s5, s4  }
0x7: {  	s22 =	simm.s32 $0x0;
	s1 =	rddreg [dreg:$0x2];
	s4 =	smul.u32 $0x6400, s4  }
.Ltmp0:
0x8: {  	[smem:$0x7FF] =	sst s3;
	s7 =	ssub.s32 $0x2, s5;
	(pc) =	sbr.rel .LBB2_1-.Ltmp0, $4  }
0x9: {  	_ =	strace $0x80000047;
	s5 =	sadd.s32 $0xA00, s6;
	s8 =	sshrl.u32 s7, $0x1  }
0xa: {  	s6 =	sadd.s32 $0xF42E00, s6;
	s12 =	ssub.s32 s7, s8;
	s9 =	sshrl.u32 s4, $0x3  }
0xb: {  	s10 =	sor.u32 $0x320, s4;
	s11 =	sadd.s32 $0x960, s4;
	s7 =	sadd.s32 s5, s9  }
0xc: {  	v0 =	vlaneseq.u32;
	s12 =	smax.u32 s12, $0x1;
	s9 =	sadd.s32 $0x640, s4;
	s8 =	sadd.s32 $0x64, s7  }
.LBB2_16:
0xd: {  	s22 =	sadd.s32 $0x1, s22  }
0xe: {  	p0 =	sne.s32 s22, s12  }
.Ltmp1:
0xf: {  	_ = 	snop;
	(pc) =	sbr.rel @!p0 .LBB2_17-.Ltmp1, $4  }
0x10: {  	_ = 	snop  }
0x11: {  	_ =	swait.ge [sflag:s21], $0xC800  }
0x12: {  	[sflag:s21] =	ssyncset.done $0x0  }
0x13: {  	[sflag:s21] =	ssyncadd.s32 $0xFFFF3800  }
.LBB2_1:
0x14: {  	[tilespmem:s3], [sflag:$0x1] =	stream.linear.gather [hbm4b:s7+s3], $0x320, $0x38;
	[tilespmem:$0x19640] =	vst v63  }
0x15: {  	_ = 	snop  }
0x16: {  	[tilespmem:s13], [sflag:$0x2] =	stream.linear.gather [hbm4b:s8+s3], $0x320, $0x38;
	[tilespmem:$0x19640] =	vst v63  }
0x17: {  	_ =	swait.ge [sflag:s14], $0x320  }
0x18: {  	[sflag:s14] =	ssyncset.done $0x0  }
0x19: {  	s23 =	simm.s32 $0x0;
	[sflag:s14] =	ssyncadd.s32 $0xFFFFFCE0  }
0x1a: {  	[tilespmem:s15], [sflag:$0x3] =	stream.indirect.gather [hbm4b:s6+s13], $0x40, s3, s13, $0xb8;
	[tilespmem:$0x19640] =	vst v63  }
.LBB2_2:
0x1b: {  	_ =	swait.ge [sflag:s16], $0xC800  }
0x1c: {  	[sflag:s16] =	ssyncset.done $0x0  }
0x1d: {  	s25 =	simm.s32 $0x0;
	[sflag:s16] =	ssyncadd.s32 $0xFFFF3800  }
0x1e: {  	v2 =	vld [tilespmem:s25+$0x0];
	_ =	sdelay $0x4  }
0x1f: {  	v1 =	vimm.s32 $0x7FFFFFFF;
	s24 =	simm.s32 $0x10;
	vm0 =	veq.s32 v2, $0x0;
	v2 =	vor.u32 s25, v0;
	s25 =	simm.s32 $0x10  }
.LBB2_3:
0x20: {  	v3 =	vld [tilespmem:s25+$0x0];
	p0 =	sne.s32 s24, $0x310;
	v2 =	vnsel vm0, $0x7FFFFFFF, v2;
	s26 =	smov.u32 s24;
	s24 =	sadd.s32 $0x10, s24  }
.Ltmp2:
0x21: {  	vm0 =	vlt.s32 v1, v2;
	(pc) =	sbr.rel @p0 .LBB2_3-.Ltmp2, $2  }
0x22: {  	v1 =	vsel vm0, v1, v2;
	_ =	sdelay $0x2  }
0x23: {  	s25 =	sadd.s32 $0x10, s25;
	v2 =	vor.u32 s26, v0;
	vm0 =	veq.s32 v3, $0x0  }
0x24: {  	v2 =	vnsel vm0, $0x7FFFFFFF, v2  }
0x25: {  	vm0 =	vlt.s32 v1, v2  }
0x26: {  	v1 =	vsel vm0, v1, v2  }
0x27: {  	(v2sf) =	vpush v1, $0x0  }
0x28: {  	(v2sf) =	vpush v1, $0x1;
	_ =	sdelay $0x1  }
0x29: {  	(v2sf) =	vpush v1, $0x2;
	_ =	sdelay $0x1  }
0x2a: {  	(v2sf) =	vpush v1, $0x3;
	_ =	sdelay $0x1  }
0x2b: {  	(v2sf) =	vpush v1, $0x4;
	_ =	sdelay $0x1  }
0x2c: {  	(v2sf) =	vpush v1, $0x5;
	_ =	sdelay $0x1  }
0x2d: {  	(v2sf) =	vpush v1, $0x6;
	_ =	sdelay $0x1  }
0x2e: {  	(v2sf) =	vpush v1, $0x7;
	_ =	sdelay $0x1  }
0x2f: {  	s24 =	spop (v2sf);
	(v2sf) =	vpush v1, $0x8  }
0x30: {  	s25 =	spop (v2sf)  }
0x31: {  	(v2sf) =	vpush v1, $0x9;
	p0 =	slt.s32 s24, s25  }
0x32: {  	s25 =	smov.u32 @p0 s24;
	s24 =	spop (v2sf)  }
0x33: {  	(v2sf) =	vpush v1, $0xA;
	p0 =	slt.s32 s25, s24  }
0x34: {  	s24 =	smov.u32 @p0 s25;
	s25 =	spop (v2sf)  }
0x35: {  	(v2sf) =	vpush v1, $0xB;
	p0 =	slt.s32 s24, s25  }
0x36: {  	s25 =	smov.u32 @p0 s24;
	s24 =	spop (v2sf)  }
0x37: {  	(v2sf) =	vpush v1, $0xC;
	p0 =	slt.s32 s25, s24  }
0x38: {  	s24 =	smov.u32 @p0 s25;
	s25 =	spop (v2sf)  }
0x39: {  	(v2sf) =	vpush v1, $0xD;
	p0 =	slt.s32 s24, s25  }
0x3a: {  	s25 =	smov.u32 @p0 s24;
	s24 =	spop (v2sf)  }
0x3b: {  	(v2sf) =	vpush v1, $0xE;
	p0 =	slt.s32 s25, s24  }
0x3c: {  	s24 =	smov.u32 @p0 s25;
	s25 =	spop (v2sf)  }
0x3d: {  	(v2sf) =	vpush v1, $0xF;
	p0 =	slt.s32 s24, s25  }
0x3e: {  	s25 =	smov.u32 @p0 s24;
	s24 =	spop (v2sf)  }
0x3f: {  	p0 =	slt.s32 s25, s24  }
0x40: {  	s24 =	smov.u32 @p0 s25;
	s25 =	spop (v2sf)  }
0x41: {  	p0 =	slt.s32 s24, s25  }
0x42: {  	s25 =	smov.u32 @p0 s24;
	s24 =	spop (v2sf)  }
0x43: {  	p0 =	slt.s32 s25, s24  }
0x44: {  	s24 =	smov.u32 @p0 s25;
	s25 =	spop (v2sf)  }
0x45: {  	p0 =	slt.s32 s24, s25  }
0x46: {  	s25 =	smov.u32 @p0 s24;
	s24 =	spop (v2sf)  }
0x47: {  	p0 =	slt.s32 s25, s24  }
0x48: {  	s24 =	smov.u32 @p0 s25;
	s25 =	spop (v2sf)  }
0x49: {  	p0 =	slt.s32 s24, s25  }
0x4a: {  	s25 =	smov.u32 @p0 s24;
	s24 =	spop (v2sf)  }
0x4b: {  	p0 =	slt.s32 s25, s24  }
0x4c: {  	s24 =	smov.u32 @p0 s25;
	s25 =	spop (v2sf)  }
0x4d: {  	p0 =	slt.s32 s24, s25  }
0x4e: {  	s25 =	smov.u32 @p0 s24  }
0x4f: {  	p0 =	seq.s32 s25, $0x7FFFFFFF  }
.Ltmp3:
0x50: {  	_ = 	snop;
	(pc) =	sbr.rel @p0 .LBB2_8-.Ltmp3, $1  }
0x51: {  	_ =	sdelay $0x3  }
0x52: {  	s24 =	simm.s32 $0x0  }
0x53: {  	v1 =	vld [tilespmem:s24+$0x0];
	_ =	sdelay $0x4  }
0x54: {  	(v2sf) =	vpush v1, $0x0;
	_ =	sdelay $0x3  }
0x55: {  	(v2sf) =	vpush v1, $0x1;
	_ =	sdelay $0x3  }
0x56: {  	(v2sf) =	vpush v1, $0x2;
	_ =	sdelay $0x3  }
0x57: {  	(v2sf) =	vpush v1, $0x3;
	_ =	sdelay $0x2  }
0x58: {  	s26 =	spop (v2sf)  }
0x59: {  	(v2sf) =	vpush v1, $0x4;
	p0 =	sne.s32 s26, $0x0  }
0x5a: {  	s24 =	simm.s32 $0x840;
	v2 =	vimm.f32 @!p0 $0.0e+00  }
0x5b: {  	[tilespmem:s24+$0xFFFFFE00] =	vst @!p0 v2  }
0x5c: {  	s25 =	spop (v2sf);
	[tilespmem:s24+$0xFFFFFE10] =	vst @!p0 v2  }
0x5d: {  	(v2sf) =	vpush v1, $0x5;
	p1 =	sne.s32 s25, $0x0;
	[tilespmem:s24+$0xFFFFFE20] =	vst @!p0 v2  }
0x5e: {  	v3 =	vimm.f32 @!p1 $0.0e+00;
	[tilespmem:s24+$0xFFFFFE30] =	vst @!p0 v2  }
0x5f: {  	[tilespmem:s24+$0xFFFFFE40] =	vst @!p1 v3  }
0x60: {  	s28 =	spop (v2sf);
	[tilespmem:s24+$0xFFFFFE50] =	vst @!p1 v3  }
0x61: {  	(v2sf) =	vpush v1, $0x6;
	p0 =	sne.s32 s28, $0x0;
	[tilespmem:s24+$0xFFFFFE60] =	vst @!p1 v3  }
0x62: {  	v2 =	vimm.f32 @!p0 $0.0e+00;
	[tilespmem:s24+$0xFFFFFE70] =	vst @!p1 v3  }
0x63: {  	[tilespmem:s24+$0xFFFFFE80] =	vst @!p0 v2  }
0x64: {  	s29 =	spop (v2sf);
	[tilespmem:s24+$0xFFFFFE90] =	vst @!p0 v2  }
0x65: {  	(v2sf) =	vpush v1, $0x7;
	p1 =	sne.s32 s29, $0x0;
	[tilespmem:s24+$0xFFFFFEA0] =	vst @!p0 v2  }
0x66: {  	v3 =	vimm.f32 @!p1 $0.0e+00;
	[tilespmem:s24+$0xFFFFFEB0] =	vst @!p0 v2  }
0x67: {  	[tilespmem:s24+$0xFFFFFEC0] =	vst @!p1 v3  }
0x68: {  	[tilespmem:s24+$0xFFFFFED0] =	vst @!p1 v3;
	s30 =	spop (v2sf)  }
0x69: {  	[tilespmem:s24+$0xFFFFFEE0] =	vst @!p1 v3;
	(v2sf) =	vpush v1, $0x8;
	p0 =	sne.s32 s30, $0x0  }
0x6a: {  	[tilespmem:s24+$0xFFFFFEF0] =	vst @!p1 v3;
	v2 =	vimm.f32 @!p0 $0.0e+00  }
0x6b: {  	[tilespmem:s24+$0xFFFFFF00] =	vst @!p0 v2  }
0x6c: {  	s31 =	spop (v2sf);
	[tilespmem:s24+$0xFFFFFF10] =	vst @!p0 v2  }
0x6d: {  	(v2sf) =	vpush v1, $0x9;
	p1 =	sne.s32 s31, $0x0;
	[tilespmem:s24+$0xFFFFFF20] =	vst @!p0 v2  }
0x6e: {  	v3 =	vimm.f32 @!p1 $0.0e+00;
	[tilespmem:s24+$0xFFFFFF30] =	vst @!p0 v2  }
0x6f: {  	[tilespmem:s24+$0xFFFFFF40] =	vst @!p1 v3  }
0x70: {  	s26 =	spop (v2sf);
	[tilespmem:s24+$0xFFFFFF50] =	vst @!p1 v3  }
0x71: {  	(v2sf) =	vpush v1, $0xA;
	p0 =	sne.s32 s26, $0x0;
	[tilespmem:s24+$0xFFFFFF60] =	vst @!p1 v3  }
0x72: {  	v2 =	vimm.f32 @!p0 $0.0e+00;
	[tilespmem:s24+$0xFFFFFF70] =	vst @!p1 v3  }
0x73: {  	[tilespmem:s24+$0xFFFFFF80] =	vst @!p0 v2  }
0x74: {  	s28 =	spop (v2sf);
	[tilespmem:s24+$0xFFFFFF90] =	vst @!p0 v2  }
0x75: {  	(v2sf) =	vpush v1, $0xB;
	p1 =	sne.s32 s28, $0x0;
	[tilespmem:s24+$0xFFFFFFA0] =	vst @!p0 v2  }
0x76: {  	v3 =	vimm.f32 @!p1 $0.0e+00;
	[tilespmem:s24+$0xFFFFFFB0] =	vst @!p0 v2  }
0x77: {  	[tilespmem:s24+$0xFFFFFFC0] =	vst @!p1 v3  }
0x78: {  	[tilespmem:s24+$0xFFFFFFD0] =	vst @!p1 v3;
	s29 =	spop (v2sf)  }
0x79: {  	[tilespmem:s24+$0xFFFFFFE0] =	vst @!p1 v3;
	(v2sf) =	vpush v1, $0xC;
	p0 =	sne.s32 s29, $0x0  }
0x7a: {  	[tilespmem:s24+$0xFFFFFFF0] =	vst @!p1 v3;
	v2 =	vimm.f32 @!p0 $0.0e+00  }
0x7b: {  	[tilespmem:s24+$0x0] =	vst @!p0 v2  }
0x7c: {  	s30 =	spop (v2sf);
	[tilespmem:s24+$0x10] =	vst @!p0 v2  }
0x7d: {  	(v2sf) =	vpush v1, $0xD;
	p1 =	sne.s32 s30, $0x0;
	[tilespmem:s24+$0x20] =	vst @!p0 v2  }
0x7e: {  	v3 =	vimm.f32 @!p1 $0.0e+00;
	[tilespmem:s24+$0x30] =	vst @!p0 v2  }
0x7f: {  	[tilespmem:s24+$0x40] =	vst @!p1 v3  }
0x80: {  	s31 =	spop (v2sf);
	[tilespmem:s24+$0x50] =	vst @!p1 v3  }
0x81: {  	(v2sf) =	vpush v1, $0xE;
	p0 =	sne.s32 s31, $0x0;
	[tilespmem:s24+$0x60] =	vst @!p1 v3  }
0x82: {  	v2 =	vimm.f32 @!p0 $0.0e+00;
	[tilespmem:s24+$0x70] =	vst @!p1 v3  }
0x83: {  	[tilespmem:s24+$0x80] =	vst @!p0 v2  }
0x84: {  	s26 =	spop (v2sf);
	[tilespmem:s24+$0x90] =	vst @!p0 v2  }
0x85: {  	(v2sf) =	vpush v1, $0xF;
	p1 =	sne.s32 s26, $0x0;
	[tilespmem:s24+$0xA0] =	vst @!p0 v2  }
0x86: {  	v1 =	vimm.f32 @!p1 $0.0e+00;
	[tilespmem:s24+$0xB0] =	vst @!p0 v2  }
0x87: {  	[tilespmem:s24+$0xC0] =	vst @!p1 v1  }
0x88: {  	[tilespmem:s24+$0xD0] =	vst @!p1 v1;
	s28 =	spop (v2sf)  }
0x89: {  	[tilespmem:s24+$0xE0] =	vst @!p1 v1;
	p0 =	sne.s32 s28, $0x0  }
0x8a: {  	[tilespmem:s24+$0xF0] =	vst @!p1 v1;
	v2 =	vimm.f32 @!p0 $0.0e+00  }
0x8b: {  	[tilespmem:s24+$0x100] =	vst @!p0 v2  }
0x8c: {  	s29 =	spop (v2sf);
	[tilespmem:s24+$0x110] =	vst @!p0 v2  }
0x8d: {  	p1 =	sne.s32 s29, $0x0;
	[tilespmem:s24+$0x120] =	vst @!p0 v2  }
0x8e: {  	v1 =	vimm.f32 @!p1 $0.0e+00;
	[tilespmem:s24+$0x130] =	vst @!p0 v2  }
0x8f: {  	[tilespmem:s24+$0x140] =	vst @!p1 v1  }
0x90: {  	s30 =	spop (v2sf);
	[tilespmem:s24+$0x150] =	vst @!p1 v1  }
0x91: {  	p0 =	sne.s32 s30, $0x0;
	[tilespmem:s24+$0x160] =	vst @!p1 v1  }
0x92: {  	v2 =	vimm.f32 @!p0 $0.0e+00;
	[tilespmem:s24+$0x170] =	vst @!p1 v1  }
0x93: {  	[tilespmem:s24+$0x180] =	vst @!p0 v2  }
0x94: {  	s31 =	spop (v2sf);
	[tilespmem:s24+$0x190] =	vst @!p0 v2  }
0x95: {  	p3 =	sne.s32 s31, $0x0;
	[tilespmem:s24+$0x1A0] =	vst @!p0 v2  }
0x96: {  	[tilespmem:s24+$0x1B0] =	vst @!p0 v2;
	v1 =	vimm.f32 @!p3 $0.0e+00  }
0x97: {  	[tilespmem:s24+$0x1C0] =	vst @!p3 v1  }
0x98: {  	[tilespmem:s24+$0x1D0] =	vst @!p3 v1  }
0x99: {  	s25 =	simm.s32 $0x40;
	[tilespmem:s24+$0x1E0] =	vst @!p3 v1  }
.LBB2_6:
0x9a: {  	s26 =	sshra.s32 s25, $0x2;
	[tilespmem:s24+$0x1F0] =	vst @!p3 v1  }
0x9b: {  	v1 =	vld [tilespmem:s26+$0x0];
	_ =	sdelay $0x4  }
0x9c: {  	(v2sf) =	vpush v1, $0x0;
	_ =	sdelay $0x2  }
0x9d: {  	(v2sf) =	vpush v1, $0x1  }
0x9e: {  	(v2sf) =	vpush v1, $0x2  }
0x9f: {  	(v2sf) =	vpush v1, $0x3  }
0xa0: {  	(v2sf) =	vpush v1, $0x4  }
0xa1: {  	(v2sf) =	vpush v1, $0x5  }
0xa2: {  	(v2sf) =	vpush v1, $0x6  }
0xa3: {  	(v2sf) =	vpush v1, $0x7  }
0xa4: {  	(v2sf) =	vpush v1, $0x8  }
0xa5: {  	(v2sf) =	vpush v1, $0x9  }
0xa6: {  	(v2sf) =	vpush v1, $0xA  }
0xa7: {  	(v2sf) =	vpush v1, $0xB  }
0xa8: {  	(v2sf) =	vpush v1, $0xC  }
0xa9: {  	(v2sf) =	vpush v1, $0xD;
	s29 =	spop (v2sf)  }
0xaa: {  	(v2sf) =	vpush v1, $0xE;
	p1 =	sne.s32 s29, $0x0  }
0xab: {  	s24 =	sadd.s32 $0x400, s24;
	(v2sf) =	vpush v1, $0xF;
	v1 =	vimm.f32 @!p1 $0.0e+00  }
0xac: {  	[tilespmem:s24+$0xFFFFFE00] =	vst @!p1 v1  }
0xad: {  	s30 =	spop (v2sf);
	[tilespmem:s24+$0xFFFFFE10] =	vst @!p1 v1  }
0xae: {  	p2 =	sne.s32 s30, $0x0;
	[tilespmem:s24+$0xFFFFFE20] =	vst @!p1 v1  }
0xaf: {  	v2 =	vimm.f32 @!p2 $0.0e+00;
	[tilespmem:s24+$0xFFFFFE30] =	vst @!p1 v1  }
0xb0: {  	[tilespmem:s24+$0xFFFFFE40] =	vst @!p2 v2  }
0xb1: {  	s31 =	spop (v2sf);
	[tilespmem:s24+$0xFFFFFE50] =	vst @!p2 v2  }
0xb2: {  	p3 =	sne.s32 s31, $0x0;
	[tilespmem:s24+$0xFFFFFE60] =	vst @!p2 v2  }
0xb3: {  	v3 =	vimm.f32 @!p3 $0.0e+00;
	[tilespmem:s24+$0xFFFFFE70] =	vst @!p2 v2  }
0xb4: {  	[tilespmem:s24+$0xFFFFFE80] =	vst @!p3 v3  }
0xb5: {  	s28 =	spop (v2sf);
	[tilespmem:s24+$0xFFFFFE90] =	vst @!p3 v3  }
0xb6: {  	p6 =	sne.s32 s28, $0x0;
	[tilespmem:s24+$0xFFFFFEA0] =	vst @!p3 v3  }
0xb7: {  	v4 =	vimm.f32 @!p6 $0.0e+00;
	[tilespmem:s24+$0xFFFFFEB0] =	vst @!p3 v3  }
0xb8: {  	[tilespmem:s24+$0xFFFFFEC0] =	vst @!p6 v4  }
0xb9: {  	s29 =	spop (v2sf);
	[tilespmem:s24+$0xFFFFFED0] =	vst @!p6 v4  }
0xba: {  	p5 =	sne.s32 s29, $0x0;
	[tilespmem:s24+$0xFFFFFEE0] =	vst @!p6 v4  }
0xbb: {  	v5 =	vimm.f32 @!p5 $0.0e+00;
	[tilespmem:s24+$0xFFFFFEF0] =	vst @!p6 v4  }
0xbc: {  	[tilespmem:s24+$0xFFFFFF00] =	vst @!p5 v5  }
0xbd: {  	s30 =	spop (v2sf);
	[tilespmem:s24+$0xFFFFFF10] =	vst @!p5 v5  }
0xbe: {  	s25 =	sadd.s32 $0x40, s25;
	p4 =	sne.s32 s30, $0x0;
	[tilespmem:s24+$0xFFFFFF20] =	vst @!p5 v5  }
0xbf: {  	p0 =	sne.s32 s25, $0xC80;
	v6 =	vimm.f32 @!p4 $0.0e+00;
	[tilespmem:s24+$0xFFFFFF30] =	vst @!p5 v5  }
0xc0: {  	s26 =	simm.s32 @!p0 $0x0;
	s31 =	spop (v2sf);
	[tilespmem:s24+$0xFFFFFF40] =	vst @!p4 v6  }
0xc1: {  	s26 =	simm.s32 @p0 $0x1;
	s28 =	spop (v2sf);
	[tilespmem:s24+$0xFFFFFF50] =	vst @!p4 v6  }
0xc2: {  	p1 =	sne.s32 s31, $0x0;
	p0 =	sne.s32 s28, $0x0;
	s29 =	spop (v2sf);
	[tilespmem:s24+$0xFFFFFF60] =	vst @!p4 v6  }
0xc3: {  	[smem:$0x7FD] =	sst s26;
	v7 =	vimm.f32 @!p1 $0.0e+00;
	[tilespmem:s24+$0xFFFFFF70] =	vst @!p4 v6;
	s26 =	simm.s32 @!p0 $0x0;
	s30 =	spop (v2sf)  }
0xc4: {  	[tilespmem:s24+$0xFFFFFF80] =	vst @!p1 v7;
	s26 =	simm.s32 @p0 $0x1;
	s31 =	spop (v2sf)  }
0xc5: {  	v8 =	vimm.f32 @!p0 $0.0e+00;
	[tilespmem:s24+$0xFFFFFF90] =	vst @!p1 v7;
	p0 =	sne.s32 s29, $0x0;
	p2 =	sne.s32 s30, $0x0;
	s28 =	spop (v2sf)  }
0xc6: {  	[tilespmem:s24+$0xFFFFFFA0] =	vst @!p1 v7;
	[smem:$0x7F7] =	sst s26;
	s26 =	simm.s32 @!p0 $0x0;
	s29 =	spop (v2sf)  }
0xc7: {  	[tilespmem:s24+$0xFFFFFFB0] =	vst @!p1 v7;
	v2 =	vimm.f32 @!p0 $0.0e+00;
	v9 =	vimm.f32 @!p2 $0.0e+00;
	s26 =	simm.s32 @p0 $0x1;
	p0 =	sne.s32 s31, $0x0;
	s30 =	spop (v2sf)  }
0xc8: {  	[tilespmem:s24+$0x40] =	vst @!p2 v9;
	[smem:$0x7F8] =	sst s26;
	s26 =	simm.s32 @!p0 $0x0;
	s31 =	spop (v2sf)  }
0xc9: {  	[tilespmem:s24+$0x50] =	vst @!p2 v9;
	v10 =	vimm.f32 @!p0 $0.0e+00;
	s26 =	simm.s32 @p0 $0x1;
	p0 =	sne.s32 s28, $0x0;
	s28 =	spop (v2sf)  }
0xca: {  	[tilespmem:s24+$0x60] =	vst @!p2 v9;
	[smem:$0x7F9] =	sst s26;
	s26 =	simm.s32 @!p0 $0x0;
	p3 =	sne.s32 s28, $0x0  }
0xcb: {  	[tilespmem:s24+$0x70] =	vst @!p2 v9;
	v11 =	vimm.f32 @!p0 $0.0e+00;
	s26 =	simm.s32 @p0 $0x1;
	p0 =	sne.s32 s29, $0x0;
	s29 =	sld [smem:$0x7F7];
	v1 =	vimm.f32 @!p3 $0.0e+00  }
0xcc: {  	[tilespmem:s24+$0x1C0] =	vst @!p3 v1  }
0xcd: {  	[tilespmem:s24+$0x1D0] =	vst @!p3 v1  }
0xce: {  	[smem:$0x7FA] =	sst s26;
	s26 =	simm.s32 @!p0 $0x0;
	[tilespmem:s24+$0x1E0] =	vst @!p3 v1;
	p1 =	seq.s32 s29, $0x1  }
0xcf: {  	v3 =	vimm.f32 @!p0 $0.0e+00;
	s26 =	simm.s32 @p0 $0x1;
	p0 =	sne.s32 s30, $0x0;
	s30 =	sld [smem:$0x7F8];
	[tilespmem:s24+$0xFFFFFFC0] =	vst @!p1 v8  }
0xd0: {  	[tilespmem:s24+$0xFFFFFFD0] =	vst @!p1 v8  }
0xd1: {  	[tilespmem:s24+$0xFFFFFFE0] =	vst @!p1 v8  }
0xd2: {  	[tilespmem:s24+$0xFFFFFFF0] =	vst @!p1 v8;
	p1 =	seq.s32 s30, $0x1  }
0xd3: {  	[tilespmem:s24+$0x0] =	vst @!p1 v2  }
0xd4: {  	[smem:$0x7FB] =	sst s26;
	s26 =	simm.s32 @!p0 $0x0;
	[tilespmem:s24+$0x10] =	vst @!p1 v2  }
0xd5: {  	v12 =	vimm.f32 @!p0 $0.0e+00;
	s26 =	simm.s32 @p0 $0x1;
	p0 =	sne.s32 s31, $0x0;
	[tilespmem:s24+$0x20] =	vst @!p1 v2  }
0xd6: {  	v13 =	vimm.f32 @!p0 $0.0e+00;
	[tilespmem:s24+$0x30] =	vst @!p1 v2  }
0xd7: {  	s31 =	sld [smem:$0x7F9];
	[tilespmem:s24+$0x180] =	vst @!p0 v13  }
0xd8: {  	[tilespmem:s24+$0x190] =	vst @!p0 v13  }
0xd9: {  	[tilespmem:s24+$0x1A0] =	vst @!p0 v13  }
0xda: {  	[tilespmem:s24+$0x1B0] =	vst @!p0 v13;
	p1 =	seq.s32 s31, $0x1  }
0xdb: {  	s28 =	sld [smem:$0x7FA];
	[tilespmem:s24+$0x80] =	vst @!p1 v10  }
0xdc: {  	[tilespmem:s24+$0x90] =	vst @!p1 v10  }
0xdd: {  	[tilespmem:s24+$0xA0] =	vst @!p1 v10  }
0xde: {  	[tilespmem:s24+$0xB0] =	vst @!p1 v10;
	p1 =	seq.s32 s28, $0x1  }
0xdf: {  	s29 =	sld [smem:$0x7FB];
	[tilespmem:s24+$0xC0] =	vst @!p1 v11  }
0xe0: {  	[tilespmem:s24+$0xD0] =	vst @!p1 v11  }
0xe1: {  	[smem:$0x7FC] =	sst s26;
	[tilespmem:s24+$0xE0] =	vst @!p1 v11  }
0xe2: {  	s31 =	sld [smem:$0x7FD];
	[tilespmem:s24+$0xF0] =	vst @!p1 v11;
	p1 =	seq.s32 s29, $0x1  }
0xe3: {  	s30 =	sld [smem:$0x7FC];
	[tilespmem:s24+$0x100] =	vst @!p1 v3  }
0xe4: {  	[tilespmem:s24+$0x110] =	vst @!p1 v3  }
0xe5: {  	[tilespmem:s24+$0x120] =	vst @!p1 v3;
	p0 =	seq.s32 s31, $0x1  }
.Ltmp4:
0xe6: {  	[tilespmem:s24+$0x130] =	vst @!p1 v3;
	p1 =	seq.s32 s30, $0x1;
	(pc) =	sbr.rel @p0 .LBB2_6-.Ltmp4, $4  }
0xe7: {  	[tilespmem:s24+$0x140] =	vst @!p1 v12  }
0xe8: {  	[tilespmem:s24+$0x150] =	vst @!p1 v12  }
0xe9: {  	[tilespmem:s24+$0x160] =	vst @!p1 v12  }
0xea: {  	[tilespmem:s24+$0x170] =	vst @!p1 v12  }
0xeb: {  	[tilespmem:s24+$0x1F0] =	vst @!p3 v1  }
.LBB2_8:
0xec: {  	p0 =	seq.s32 s23, $0x0;
	s24 =	smul.u32 $0x640, s23  }
0xed: {  	s25 =	simm.s32 @!p0 $0x6  }
0xee: {  	_ =	swait.ge @!p0 [sflag:s25], $0xC800;
	s26 =	sadd.s32 s4, s24  }
0xef: {  	[sflag:s25] =	ssyncset.done @!p0 $0x0;
	s26 =	sshll.u32 s26, $0x3  }
0xf0: {  	[sflag:s25] =	ssyncadd.s32 @!p0 $0xFFFF3800;
	s29 =	sadd.s32 s2, s26  }
0xf1: {  	[hbm4b:s29+s3] =	stream.linear.scatter [tilespmem:s15], [sflag:$0x5], $0xC800, $0x38;
	[tilespmem:$0x19640] =	vst v63  }
0xf2: {  	p1 =	seq.s32 s23, $0xF;
	_ =	swait.ge [sflag:s17], $0x320  }
0xf3: {  	s25 =	sadd.s32 @!p1 s24, s9;
	[sflag:s17] =	ssyncset.done $0x0  }
0xf4: {  	s25 =	sshrl.u32 @!p1 s25, $0x3;
	[sflag:s17] =	ssyncadd.s32 $0xFFFFFCE0  }
0xf5: {  	[tilespmem:s18], [sflag:$0x4] =	stream.indirect.gather [hbm4b:s6+s13], $0x40, s13, s13, $0xb8;
	[tilespmem:$0x19640] =	vst v63  }
0xf6: {  	s26 =	simm.s32 @!p1 $0x0;
	s25 =	sadd.s32 @!p1 s5, s25  }
0xf7: {  	[tilespmem:s26], [sflag:$0x1] =	stream.linear.gather @!p1 [hbm4b:s25+s26], $0x320, $0x38;
	[tilespmem:$0x19640] =	vst v63  }
0xf8: {  	_ =	swait.ge [sflag:s19], $0xC800  }
0xf9: {  	[sflag:s19] =	ssyncset.done $0x0  }
0xfa: {  	s30 =	simm.s32 $0x320;
	[sflag:s19] =	ssyncadd.s32 $0xFFFF3800  }
0xfb: {  	v2 =	vld [tilespmem:s30+$0x0];
	_ =	sdelay $0x3  }
0xfc: {  	s31 =	simm.s32 $0x0  }
0xfd: {  	v1 =	vimm.s32 $0x7FFFFFFF;
	s25 =	simm.s32 $0x10;
	s26 =	simm.s32 $0x330;
	vm0 =	veq.s32 v2, $0x0;
	v2 =	vor.u32 s31, v0  }
.LBB2_9:
0xfe: {  	v3 =	vld [tilespmem:s26+$0x0];
	p0 =	sne.s32 s25, $0x310;
	v2 =	vnsel vm0, $0x7FFFFFFF, v2;
	s28 =	smov.u32 s25;
	s25 =	sadd.s32 $0x10, s25  }
.Ltmp5:
0xff: {  	vm0 =	vlt.s32 v1, v2;
	(pc) =	sbr.rel @p0 .LBB2_9-.Ltmp5, $2  }
0x100: {  	v1 =	vsel vm0, v1, v2;
	_ =	sdelay $0x2  }
0x101: {  	s26 =	sadd.s32 $0x10, s26;
	v2 =	vor.u32 s28, v0;
	vm0 =	veq.s32 v3, $0x0  }
0x102: {  	v2 =	vnsel vm0, $0x7FFFFFFF, v2  }
0x103: {  	vm0 =	vlt.s32 v1, v2  }
0x104: {  	v1 =	vsel vm0, v1, v2  }
0x105: {  	(v2sf) =	vpush v1, $0x0  }
0x106: {  	(v2sf) =	vpush v1, $0x1;
	_ =	sdelay $0x1  }
0x107: {  	(v2sf) =	vpush v1, $0x2;
	_ =	sdelay $0x1  }
0x108: {  	(v2sf) =	vpush v1, $0x3;
	_ =	sdelay $0x1  }
0x109: {  	(v2sf) =	vpush v1, $0x4;
	_ =	sdelay $0x1  }
0x10a: {  	(v2sf) =	vpush v1, $0x5;
	_ =	sdelay $0x1  }
0x10b: {  	(v2sf) =	vpush v1, $0x6;
	_ =	sdelay $0x1  }
0x10c: {  	(v2sf) =	vpush v1, $0x7;
	_ =	sdelay $0x1  }
0x10d: {  	s25 =	spop (v2sf);
	(v2sf) =	vpush v1, $0x8  }
0x10e: {  	s26 =	spop (v2sf)  }
0x10f: {  	(v2sf) =	vpush v1, $0x9;
	p0 =	slt.s32 s25, s26  }
0x110: {  	s26 =	smov.u32 @p0 s25;
	s25 =	spop (v2sf)  }
0x111: {  	(v2sf) =	vpush v1, $0xA;
	p0 =	slt.s32 s26, s25  }
0x112: {  	s25 =	smov.u32 @p0 s26;
	s26 =	spop (v2sf)  }
0x113: {  	(v2sf) =	vpush v1, $0xB;
	p0 =	slt.s32 s25, s26  }
0x114: {  	s26 =	smov.u32 @p0 s25;
	s25 =	spop (v2sf)  }
0x115: {  	(v2sf) =	vpush v1, $0xC;
	p0 =	slt.s32 s26, s25  }
0x116: {  	s25 =	smov.u32 @p0 s26;
	s26 =	spop (v2sf)  }
0x117: {  	(v2sf) =	vpush v1, $0xD;
	p0 =	slt.s32 s25, s26  }
0x118: {  	s26 =	smov.u32 @p0 s25;
	s25 =	spop (v2sf)  }
0x119: {  	(v2sf) =	vpush v1, $0xE;
	p0 =	slt.s32 s26, s25  }
0x11a: {  	s25 =	smov.u32 @p0 s26;
	s26 =	spop (v2sf)  }
0x11b: {  	(v2sf) =	vpush v1, $0xF;
	p0 =	slt.s32 s25, s26  }
0x11c: {  	s26 =	smov.u32 @p0 s25;
	s25 =	spop (v2sf)  }
0x11d: {  	p0 =	slt.s32 s26, s25  }
0x11e: {  	s25 =	smov.u32 @p0 s26;
	s26 =	spop (v2sf)  }
0x11f: {  	p0 =	slt.s32 s25, s26  }
0x120: {  	s26 =	smov.u32 @p0 s25;
	s25 =	spop (v2sf)  }
0x121: {  	p0 =	slt.s32 s26, s25  }
0x122: {  	s25 =	smov.u32 @p0 s26;
	s26 =	spop (v2sf)  }
0x123: {  	p0 =	slt.s32 s25, s26  }
0x124: {  	s26 =	smov.u32 @p0 s25;
	s25 =	spop (v2sf)  }
0x125: {  	p0 =	slt.s32 s26, s25  }
0x126: {  	s25 =	smov.u32 @p0 s26;
	s26 =	spop (v2sf)  }
0x127: {  	p0 =	slt.s32 s25, s26  }
0x128: {  	s26 =	smov.u32 @p0 s25;
	s25 =	spop (v2sf)  }
0x129: {  	p0 =	slt.s32 s26, s25  }
0x12a: {  	s25 =	smov.u32 @p0 s26;
	s26 =	spop (v2sf)  }
0x12b: {  	p0 =	slt.s32 s25, s26  }
0x12c: {  	s26 =	smov.u32 @p0 s25  }
0x12d: {  	p0 =	seq.s32 s26, $0x7FFFFFFF  }
.Ltmp6:
0x12e: {  	_ = 	snop;
	(pc) =	sbr.rel @p0 .LBB2_14-.Ltmp6, $1  }
0x12f: {  	_ =	sdelay $0x3  }
0x130: {  	s28 =	simm.s32 $0x0  }
0x131: {  	v1 =	vld [tilespmem:s28+$0x320];
	_ =	sdelay $0x4  }
0x132: {  	(v2sf) =	vpush v1, $0x0;
	_ =	sdelay $0x3  }
0x133: {  	(v2sf) =	vpush v1, $0x1;
	_ =	sdelay $0x3  }
0x134: {  	(v2sf) =	vpush v1, $0x2;
	_ =	sdelay $0x3  }
0x135: {  	(v2sf) =	vpush v1, $0x3;
	_ =	sdelay $0x2  }
0x136: {  	s25 =	simm.s32 @!p1 $0x0;
	s29 =	spop (v2sf)  }
0x137: {  	s25 =	simm.s32 @p1 $0x1;
	(v2sf) =	vpush v1, $0x4;
	p0 =	sne.s32 s29, $0x0  }
0x138: {  	[smem:$0x7F6] =	sst s25;
	s25 =	simm.s32 $0xD040;
	v2 =	vimm.f32 @!p0 $0.0e+00  }
0x139: {  	[tilespmem:s25+$0xFFFFFE00] =	vst @!p0 v2  }
0x13a: {  	s26 =	spop (v2sf);
	[tilespmem:s25+$0xFFFFFE10] =	vst @!p0 v2  }
0x13b: {  	(v2sf) =	vpush v1, $0x5;
	p1 =	sne.s32 s26, $0x0;
	[tilespmem:s25+$0xFFFFFE20] =	vst @!p0 v2  }
0x13c: {  	v3 =	vimm.f32 @!p1 $0.0e+00;
	[tilespmem:s25+$0xFFFFFE30] =	vst @!p0 v2  }
0x13d: {  	[tilespmem:s25+$0xFFFFFE40] =	vst @!p1 v3  }
0x13e: {  	s30 =	spop (v2sf);
	[tilespmem:s25+$0xFFFFFE50] =	vst @!p1 v3  }
0x13f: {  	(v2sf) =	vpush v1, $0x6;
	p0 =	sne.s32 s30, $0x0;
	[tilespmem:s25+$0xFFFFFE60] =	vst @!p1 v3  }
0x140: {  	v2 =	vimm.f32 @!p0 $0.0e+00;
	[tilespmem:s25+$0xFFFFFE70] =	vst @!p1 v3  }
0x141: {  	[tilespmem:s25+$0xFFFFFE80] =	vst @!p0 v2  }
0x142: {  	s31 =	spop (v2sf);
	[tilespmem:s25+$0xFFFFFE90] =	vst @!p0 v2  }
0x143: {  	(v2sf) =	vpush v1, $0x7;
	p1 =	sne.s32 s31, $0x0;
	[tilespmem:s25+$0xFFFFFEA0] =	vst @!p0 v2  }
0x144: {  	v3 =	vimm.f32 @!p1 $0.0e+00;
	[tilespmem:s25+$0xFFFFFEB0] =	vst @!p0 v2  }
0x145: {  	[tilespmem:s25+$0xFFFFFEC0] =	vst @!p1 v3  }
0x146: {  	[tilespmem:s25+$0xFFFFFED0] =	vst @!p1 v3;
	s28 =	spop (v2sf)  }
0x147: {  	[tilespmem:s25+$0xFFFFFEE0] =	vst @!p1 v3;
	(v2sf) =	vpush v1, $0x8;
	p0 =	sne.s32 s28, $0x0  }
0x148: {  	[tilespmem:s25+$0xFFFFFEF0] =	vst @!p1 v3;
	v2 =	vimm.f32 @!p0 $0.0e+00  }
0x149: {  	[tilespmem:s25+$0xFFFFFF00] =	vst @!p0 v2  }
0x14a: {  	s29 =	spop (v2sf);
	[tilespmem:s25+$0xFFFFFF10] =	vst @!p0 v2  }
0x14b: {  	(v2sf) =	vpush v1, $0x9;
	p1 =	sne.s32 s29, $0x0;
	[tilespmem:s25+$0xFFFFFF20] =	vst @!p0 v2  }
0x14c: {  	v3 =	vimm.f32 @!p1 $0.0e+00;
	[tilespmem:s25+$0xFFFFFF30] =	vst @!p0 v2  }
0x14d: {  	[tilespmem:s25+$0xFFFFFF40] =	vst @!p1 v3  }
0x14e: {  	s30 =	spop (v2sf);
	[tilespmem:s25+$0xFFFFFF50] =	vst @!p1 v3  }
0x14f: {  	(v2sf) =	vpush v1, $0xA;
	p0 =	sne.s32 s30, $0x0;
	[tilespmem:s25+$0xFFFFFF60] =	vst @!p1 v3  }
0x150: {  	v2 =	vimm.f32 @!p0 $0.0e+00;
	[tilespmem:s25+$0xFFFFFF70] =	vst @!p1 v3  }
0x151: {  	[tilespmem:s25+$0xFFFFFF80] =	vst @!p0 v2  }
0x152: {  	s31 =	spop (v2sf);
	[tilespmem:s25+$0xFFFFFF90] =	vst @!p0 v2  }
0x153: {  	(v2sf) =	vpush v1, $0xB;
	p1 =	sne.s32 s31, $0x0;
	[tilespmem:s25+$0xFFFFFFA0] =	vst @!p0 v2  }
0x154: {  	v3 =	vimm.f32 @!p1 $0.0e+00;
	[tilespmem:s25+$0xFFFFFFB0] =	vst @!p0 v2  }
0x155: {  	[tilespmem:s25+$0xFFFFFFC0] =	vst @!p1 v3  }
0x156: {  	[tilespmem:s25+$0xFFFFFFD0] =	vst @!p1 v3;
	s28 =	spop (v2sf)  }
0x157: {  	[tilespmem:s25+$0xFFFFFFE0] =	vst @!p1 v3;
	(v2sf) =	vpush v1, $0xC;
	p0 =	sne.s32 s28, $0x0  }
0x158: {  	[tilespmem:s25+$0xFFFFFFF0] =	vst @!p1 v3;
	v2 =	vimm.f32 @!p0 $0.0e+00  }
0x159: {  	[tilespmem:s25+$0x0] =	vst @!p0 v2  }
0x15a: {  	s29 =	spop (v2sf);
	[tilespmem:s25+$0x10] =	vst @!p0 v2  }
0x15b: {  	(v2sf) =	vpush v1, $0xD;
	p1 =	sne.s32 s29, $0x0;
	[tilespmem:s25+$0x20] =	vst @!p0 v2  }
0x15c: {  	v3 =	vimm.f32 @!p1 $0.0e+00;
	[tilespmem:s25+$0x30] =	vst @!p0 v2  }
0x15d: {  	[tilespmem:s25+$0x40] =	vst @!p1 v3  }
0x15e: {  	s30 =	spop (v2sf);
	[tilespmem:s25+$0x50] =	vst @!p1 v3  }
0x15f: {  	(v2sf) =	vpush v1, $0xE;
	p0 =	sne.s32 s30, $0x0;
	[tilespmem:s25+$0x60] =	vst @!p1 v3  }
0x160: {  	v2 =	vimm.f32 @!p0 $0.0e+00;
	[tilespmem:s25+$0x70] =	vst @!p1 v3  }
0x161: {  	[tilespmem:s25+$0x80] =	vst @!p0 v2  }
0x162: {  	s31 =	spop (v2sf);
	[tilespmem:s25+$0x90] =	vst @!p0 v2  }
0x163: {  	(v2sf) =	vpush v1, $0xF;
	p1 =	sne.s32 s31, $0x0;
	[tilespmem:s25+$0xA0] =	vst @!p0 v2  }
0x164: {  	v1 =	vimm.f32 @!p1 $0.0e+00;
	[tilespmem:s25+$0xB0] =	vst @!p0 v2  }
0x165: {  	[tilespmem:s25+$0xC0] =	vst @!p1 v1  }
0x166: {  	[tilespmem:s25+$0xD0] =	vst @!p1 v1;
	s28 =	spop (v2sf)  }
0x167: {  	[tilespmem:s25+$0xE0] =	vst @!p1 v1;
	p0 =	sne.s32 s28, $0x0  }
0x168: {  	[tilespmem:s25+$0xF0] =	vst @!p1 v1;
	v2 =	vimm.f32 @!p0 $0.0e+00  }
0x169: {  	[tilespmem:s25+$0x100] =	vst @!p0 v2  }
0x16a: {  	s29 =	spop (v2sf);
	[tilespmem:s25+$0x110] =	vst @!p0 v2  }
0x16b: {  	p1 =	sne.s32 s29, $0x0;
	[tilespmem:s25+$0x120] =	vst @!p0 v2  }
0x16c: {  	v1 =	vimm.f32 @!p1 $0.0e+00;
	[tilespmem:s25+$0x130] =	vst @!p0 v2  }
0x16d: {  	[tilespmem:s25+$0x140] =	vst @!p1 v1  }
0x16e: {  	s30 =	spop (v2sf);
	[tilespmem:s25+$0x150] =	vst @!p1 v1  }
0x16f: {  	p0 =	sne.s32 s30, $0x0;
	[tilespmem:s25+$0x160] =	vst @!p1 v1  }
0x170: {  	v2 =	vimm.f32 @!p0 $0.0e+00;
	[tilespmem:s25+$0x170] =	vst @!p1 v1  }
0x171: {  	[tilespmem:s25+$0x180] =	vst @!p0 v2  }
0x172: {  	s31 =	spop (v2sf);
	[tilespmem:s25+$0x190] =	vst @!p0 v2  }
0x173: {  	p3 =	sne.s32 s31, $0x0;
	[tilespmem:s25+$0x1A0] =	vst @!p0 v2  }
0x174: {  	[tilespmem:s25+$0x1B0] =	vst @!p0 v2;
	v1 =	vimm.f32 @!p3 $0.0e+00  }
0x175: {  	[tilespmem:s25+$0x1C0] =	vst @!p3 v1  }
0x176: {  	[tilespmem:s25+$0x1D0] =	vst @!p3 v1  }
0x177: {  	s26 =	simm.s32 $0x40;
	[tilespmem:s25+$0x1E0] =	vst @!p3 v1  }
.LBB2_12:
0x178: {  	s28 =	sshra.s32 s26, $0x2;
	[tilespmem:s25+$0x1F0] =	vst @!p3 v1  }
0x179: {  	v1 =	vld [tilespmem:s28+$0x320];
	_ =	sdelay $0x4  }
0x17a: {  	(v2sf) =	vpush v1, $0x0;
	_ =	sdelay $0x2  }
0x17b: {  	(v2sf) =	vpush v1, $0x1  }
0x17c: {  	(v2sf) =	vpush v1, $0x2  }
0x17d: {  	(v2sf) =	vpush v1, $0x3  }
0x17e: {  	(v2sf) =	vpush v1, $0x4  }
0x17f: {  	(v2sf) =	vpush v1, $0x5  }
0x180: {  	(v2sf) =	vpush v1, $0x6  }
0x181: {  	(v2sf) =	vpush v1, $0x7  }
0x182: {  	(v2sf) =	vpush v1, $0x8  }
0x183: {  	(v2sf) =	vpush v1, $0x9  }
0x184: {  	(v2sf) =	vpush v1, $0xA  }
0x185: {  	(v2sf) =	vpush v1, $0xB  }
0x186: {  	(v2sf) =	vpush v1, $0xC  }
0x187: {  	(v2sf) =	vpush v1, $0xD;
	s30 =	spop (v2sf)  }
0x188: {  	(v2sf) =	vpush v1, $0xE;
	p1 =	sne.s32 s30, $0x0  }
0x189: {  	s25 =	sadd.s32 $0x400, s25;
	(v2sf) =	vpush v1, $0xF;
	v1 =	vimm.f32 @!p1 $0.0e+00  }
0x18a: {  	[tilespmem:s25+$0xFFFFFE00] =	vst @!p1 v1  }
0x18b: {  	s31 =	spop (v2sf);
	[tilespmem:s25+$0xFFFFFE10] =	vst @!p1 v1  }
0x18c: {  	p2 =	sne.s32 s31, $0x0;
	[tilespmem:s25+$0xFFFFFE20] =	vst @!p1 v1  }
0x18d: {  	v2 =	vimm.f32 @!p2 $0.0e+00;
	[tilespmem:s25+$0xFFFFFE30] =	vst @!p1 v1  }
0x18e: {  	[tilespmem:s25+$0xFFFFFE40] =	vst @!p2 v2  }
0x18f: {  	s29 =	spop (v2sf);
	[tilespmem:s25+$0xFFFFFE50] =	vst @!p2 v2  }
0x190: {  	p3 =	sne.s32 s29, $0x0;
	[tilespmem:s25+$0xFFFFFE60] =	vst @!p2 v2  }
0x191: {  	v3 =	vimm.f32 @!p3 $0.0e+00;
	[tilespmem:s25+$0xFFFFFE70] =	vst @!p2 v2  }
0x192: {  	[tilespmem:s25+$0xFFFFFE80] =	vst @!p3 v3  }
0x193: {  	s30 =	spop (v2sf);
	[tilespmem:s25+$0xFFFFFE90] =	vst @!p3 v3  }
0x194: {  	p4 =	sne.s32 s30, $0x0;
	[tilespmem:s25+$0xFFFFFEA0] =	vst @!p3 v3  }
0x195: {  	v4 =	vimm.f32 @!p4 $0.0e+00;
	[tilespmem:s25+$0xFFFFFEB0] =	vst @!p3 v3  }
0x196: {  	[tilespmem:s25+$0xFFFFFEC0] =	vst @!p4 v4  }
0x197: {  	s31 =	spop (v2sf);
	[tilespmem:s25+$0xFFFFFED0] =	vst @!p4 v4  }
0x198: {  	p6 =	sne.s32 s31, $0x0;
	[tilespmem:s25+$0xFFFFFEE0] =	vst @!p4 v4  }
0x199: {  	v5 =	vimm.f32 @!p6 $0.0e+00;
	[tilespmem:s25+$0xFFFFFEF0] =	vst @!p4 v4  }
0x19a: {  	[tilespmem:s25+$0xFFFFFF00] =	vst @!p6 v5  }
0x19b: {  	s26 =	sadd.s32 $0x40, s26;
	s29 =	spop (v2sf);
	[tilespmem:s25+$0xFFFFFF10] =	vst @!p6 v5  }
0x19c: {  	p0 =	sne.s32 s26, $0xC80;
	p5 =	sne.s32 s29, $0x0;
	[tilespmem:s25+$0xFFFFFF20] =	vst @!p6 v5  }
0x19d: {  	s28 =	simm.s32 @!p0 $0x0;
	s30 =	spop (v2sf);
	v6 =	vimm.f32 @!p5 $0.0e+00;
	[tilespmem:s25+$0xFFFFFF30] =	vst @!p6 v5  }
0x19e: {  	s28 =	simm.s32 @p0 $0x1;
	s31 =	spop (v2sf);
	[tilespmem:s25+$0xFFFFFF40] =	vst @!p5 v6  }
0x19f: {  	[smem:$0x7F5] =	sst s28;
	p0 =	sne.s32 s31, $0x0;
	s29 =	spop (v2sf);
	[tilespmem:s25+$0xFFFFFF50] =	vst @!p5 v6  }
0x1a0: {  	p1 =	sne.s32 s30, $0x0;
	[tilespmem:s25+$0xFFFFFF60] =	vst @!p5 v6;
	s28 =	simm.s32 @!p0 $0x0;
	s30 =	spop (v2sf)  }
0x1a1: {  	v7 =	vimm.f32 @!p1 $0.0e+00;
	[tilespmem:s25+$0xFFFFFF70] =	vst @!p5 v6;
	v8 =	vimm.f32 @!p0 $0.0e+00;
	s28 =	simm.s32 @p0 $0x1;
	p0 =	sne.s32 s29, $0x0;
	p2 =	sne.s32 s30, $0x0  }
0x1a2: {  	[tilespmem:s25+$0xFFFFFF80] =	vst @!p1 v7;
	s31 =	spop (v2sf);
	[smem:$0x7EF] =	sst s28;
	s28 =	simm.s32 @!p0 $0x0  }
0x1a3: {  	[tilespmem:s25+$0xFFFFFF90] =	vst @!p1 v7;
	v2 =	vimm.f32 @!p0 $0.0e+00;
	s29 =	spop (v2sf);
	s28 =	simm.s32 @p0 $0x1;
	p0 =	sne.s32 s31, $0x0  }
0x1a4: {  	[tilespmem:s25+$0xFFFFFFA0] =	vst @!p1 v7;
	s30 =	spop (v2sf);
	[smem:$0x7F0] =	sst s28;
	s28 =	simm.s32 @!p0 $0x0  }
0x1a5: {  	[tilespmem:s25+$0xFFFFFFB0] =	vst @!p1 v7;
	v9 =	vimm.f32 @!p2 $0.0e+00;
	v10 =	vimm.f32 @!p0 $0.0e+00;
	s31 =	spop (v2sf);
	s28 =	simm.s32 @p0 $0x1;
	p0 =	sne.s32 s29, $0x0  }
0x1a6: {  	[tilespmem:s25+$0x40] =	vst @!p2 v9;
	s29 =	spop (v2sf);
	[smem:$0x7F1] =	sst s28;
	s28 =	simm.s32 @!p0 $0x0  }
0x1a7: {  	[tilespmem:s25+$0x50] =	vst @!p2 v9;
	v11 =	vimm.f32 @!p0 $0.0e+00;
	s28 =	simm.s32 @p0 $0x1;
	p0 =	sne.s32 s30, $0x0;
	s30 =	spop (v2sf)  }
0x1a8: {  	[tilespmem:s25+$0x60] =	vst @!p2 v9;
	[smem:$0x7F2] =	sst s28;
	s28 =	simm.s32 @!p0 $0x0;
	p3 =	sne.s32 s30, $0x0  }
0x1a9: {  	[tilespmem:s25+$0x70] =	vst @!p2 v9;
	v3 =	vimm.f32 @!p0 $0.0e+00;
	s28 =	simm.s32 @p0 $0x1;
	p0 =	sne.s32 s31, $0x0;
	v1 =	vimm.f32 @!p3 $0.0e+00;
	s31 =	sld [smem:$0x7EF]  }
0x1aa: {  	[tilespmem:s25+$0x1C0] =	vst @!p3 v1  }
0x1ab: {  	[tilespmem:s25+$0x1D0] =	vst @!p3 v1  }
0x1ac: {  	[tilespmem:s25+$0x1E0] =	vst @!p3 v1;
	p1 =	seq.s32 s31, $0x1  }
0x1ad: {  	[tilespmem:s25+$0xFFFFFFC0] =	vst @!p1 v8  }
0x1ae: {  	[smem:$0x7F3] =	sst s28;
	s28 =	simm.s32 @!p0 $0x0;
	[tilespmem:s25+$0xFFFFFFD0] =	vst @!p1 v8  }
0x1af: {  	v12 =	vimm.f32 @!p0 $0.0e+00;
	s28 =	simm.s32 @p0 $0x1;
	p0 =	sne.s32 s29, $0x0;
	[tilespmem:s25+$0xFFFFFFE0] =	vst @!p1 v8  }
0x1b0: {  	v13 =	vimm.f32 @!p0 $0.0e+00;
	[tilespmem:s25+$0xFFFFFFF0] =	vst @!p1 v8  }
0x1b1: {  	s29 =	sld [smem:$0x7F0];
	[tilespmem:s25+$0x180] =	vst @!p0 v13  }
0x1b2: {  	[tilespmem:s25+$0x190] =	vst @!p0 v13  }
0x1b3: {  	[tilespmem:s25+$0x1A0] =	vst @!p0 v13  }
0x1b4: {  	[tilespmem:s25+$0x1B0] =	vst @!p0 v13;
	p1 =	seq.s32 s29, $0x1  }
0x1b5: {  	s30 =	sld [smem:$0x7F1];
	[tilespmem:s25+$0x0] =	vst @!p1 v2  }
0x1b6: {  	[tilespmem:s25+$0x10] =	vst @!p1 v2  }
0x1b7: {  	[tilespmem:s25+$0x20] =	vst @!p1 v2  }
0x1b8: {  	[tilespmem:s25+$0x30] =	vst @!p1 v2;
	p1 =	seq.s32 s30, $0x1  }
0x1b9: {  	s31 =	sld [smem:$0x7F2];
	[tilespmem:s25+$0x80] =	vst @!p1 v10  }
0x1ba: {  	[tilespmem:s25+$0x90] =	vst @!p1 v10  }
0x1bb: {  	[tilespmem:s25+$0xA0] =	vst @!p1 v10  }
0x1bc: {  	[tilespmem:s25+$0xB0] =	vst @!p1 v10;
	p1 =	seq.s32 s31, $0x1  }
0x1bd: {  	s29 =	sld [smem:$0x7F3];
	[tilespmem:s25+$0xC0] =	vst @!p1 v11  }
0x1be: {  	[tilespmem:s25+$0xD0] =	vst @!p1 v11  }
0x1bf: {  	[smem:$0x7F4] =	sst s28;
	[tilespmem:s25+$0xE0] =	vst @!p1 v11  }
0x1c0: {  	s31 =	sld [smem:$0x7F5];
	[tilespmem:s25+$0xF0] =	vst @!p1 v11;
	p1 =	seq.s32 s29, $0x1  }
0x1c1: {  	s30 =	sld [smem:$0x7F4];
	[tilespmem:s25+$0x100] =	vst @!p1 v3  }
0x1c2: {  	[tilespmem:s25+$0x110] =	vst @!p1 v3  }
0x1c3: {  	[tilespmem:s25+$0x120] =	vst @!p1 v3;
	p0 =	seq.s32 s31, $0x1  }
.Ltmp7:
0x1c4: {  	[tilespmem:s25+$0x130] =	vst @!p1 v3;
	p1 =	seq.s32 s30, $0x1;
	(pc) =	sbr.rel @p0 .LBB2_12-.Ltmp7, $4  }
0x1c5: {  	[tilespmem:s25+$0x140] =	vst @!p1 v12  }
0x1c6: {  	[tilespmem:s25+$0x150] =	vst @!p1 v12  }
0x1c7: {  	[tilespmem:s25+$0x160] =	vst @!p1 v12  }
0x1c8: {  	[tilespmem:s25+$0x170] =	vst @!p1 v12  }
0x1c9: {  	s31 =	sld [smem:$0x7F6];
	_ =	sdelay $0x2  }
0x1ca: {  	[tilespmem:s25+$0x1F0] =	vst @!p3 v1;
	p1 =	seq.s32 s31, $0x1  }
.LBB2_14:
.Ltmp8:
0x1cb: {  	s25 =	sadd.s32 s24, s10;
	(pc) =	sbr.rel @p1 .LBB2_16-.Ltmp8, $4  }
0x1cc: {  	_ =	swait.ge [sflag:s20], $0xC800;
	s25 =	sshll.u32 s25, $0x3  }
0x1cd: {  	[sflag:s20] =	ssyncset.done $0x0;
	s25 =	sand.u32 $0x1FFFFF00, s25  }
0x1ce: {  	[sflag:s20] =	ssyncadd.s32 $0xFFFF3800;
	s25 =	sadd.s32 s2, s25  }
0x1cf: {  	[hbm4b:s25+s3] =	stream.linear.scatter [tilespmem:s18], [sflag:$0x6], $0xC800, $0x38;
	[tilespmem:$0x19640] =	vst v63  }
0x1d0: {  	_ =	swait.ge [sflag:s14], $0x320  }
.Ltmp9:
0x1d1: {  	s24 =	sadd.s32 s24, s11;
	[sflag:s14] =	ssyncset.done $0x0;
	(pc) =	sbr.rel .LBB2_2-.Ltmp9, $4  }
0x1d2: {  	s24 =	sshrl.u32 s24, $0x3;
	[sflag:s14] =	ssyncadd.s32 $0xFFFFFCE0  }
0x1d3: {  	[tilespmem:s15], [sflag:$0x3] =	stream.indirect.gather [hbm4b:s6+s13], $0x40, s3, s13, $0xb8;
	[tilespmem:$0x19640] =	vst v63  }
0x1d4: {  	s23 =	sadd.s32 $0x1, s23;
	s24 =	sadd.s32 s5, s24  }
0x1d5: {  	[tilespmem:s13], [sflag:$0x2] =	stream.linear.gather [hbm4b:s24+s3], $0x320, $0x38;
	[tilespmem:$0x19640] =	vst v63  }
.LBB2_17:
0x1d6: {  	_ =	sfence.sel $0x180000  }
0x1d7: {  	[bflag:$0x0] =	sbarrier.arrive $0xFFFF  }
0x1d8: {  	p0 =	sne.s32 s0, $0x0;
	_ =	strace $0x90000047  }
0x1d9: {  	s0 =	sadd.s32 @!p0 $0x100000, s1;
	[bflag:$0x2] =	sbarrier.arrive $0xFFFF  }
0x1da: {  	[sflag:s0] =	ssyncadd.tile.s32 @!p0 $0x1;
	_ =	shalt  }
.Lfunc_end2:
_tile_overlayer_lowered:
.L_overlay_start_2:
0x1db: {  	(tag) =	ssettag $0x2  }
0x1dc: {  	s0 =	rddreg [dreg:$0x0];
	s2 =	stileid.u32  }
0x1dd: {  	s1 =	rddreg [dreg:$0x1];
	p0 =	sne.s32 s2, $0x0  }
0x1de: {  	s3 =	rddreg [dreg:$0x2];
	[bflag:$0x3] =	sbarrier.arrive $0xFFFF;
	s2 =	simm.s32 @!p0 $0x1C07  }
0x1df: {  	[timem:s3], [sflag:s2] =	dma.local @!p0 [hbm:s0], s1  }
0x1e0: {  	s0 =	simm.s32 @!p0 $0x7  }
0x1e1: {  	_ =	swait.ge @!p0 [sflag:s0], s1  }
0x1e2: {  	s1 =	ssub.s32 @!p0 $0x0, s1;
	[sflag:s0] =	ssyncset.done @!p0 $0x0  }
0x1e3: {  	[sflag:s0] =	ssyncadd.s32 @!p0 s1  }
0x1e4: {  	[bflag:$0x3] =	sbarrier.arrive $0xFFFF  }
0x1e5: {  	_ =	shalt  }

// kernel: sparse-core-data-format-call.cloned.1.call-start
scs
called_computation_lowered:
.L_overlay_start_0:
0x0: {  	s2 =	sld [smem:$0x3FD9]  }
0x1: {  	s3 =	sld [smem:$0x3FFE];
	_ =	sdelay $0x1  }
0x2: {  	s1 =	srdreg.scid  }
0x3: {  	s0 =	sand.u32 $0x1, s1  }
0x4: {  	s18 =	sshll.u32 s0, $0xA;
	s2 =	sadd.s32 s3, s2  }
0x5: {  	s2 =	sadd.s32 s2, s18  }
0x6: {  	[smem:$0x3FC6] =	sst s2  }
0x7: {  	_ = 	snop  }
0x8: {  	s2 =	sld [smem:$0x3FD0];
	(tm) =	ssettm $0x1  }
0x9: {  	s19 =	sld [smem:$0x3FFB];
	_ =	sdelay $0x3  }
0xa: {  	_ =	strace s19  }
0xb: {  	s3 =	sld [smem:$0x3FFC];
	_ =	sdelay $0x3  }
0xc: {  	_ =	strace s3  }
0xd: {  	s3 =	sld [smem:$0x3FFD];
	_ =	sdelay $0x3  }
0xe: {  	_ =	strace s3  }
0xf: {  	_ =	strace $0x8FFFFFFF  }
0x10: {  	s20 =	sld [smem:$0x3FDB];
	_ =	sdelay $0x1  }
0x11: {  	s4 =	simm.s32 $_scs_section_size  }
0x12: {  	s5 =	simm.s32 $_size__tile_overlayer_lowered;
	s6 =	simm.s32 $_tile_overlayer_lowered  }
0x13: {  	s23 =	simm.s32 $0x1BFF;
	s22 =	sshll.u32 s6, $0x1;
	s3 =	sadd.s32 s4, s20  }
0x14: {  	s7 =	simm.s32 $0x0;
	s21 =	sshll.u32 s5, $0x1;
	s5 =	sadd.s32 s22, s3  }
0x15: {  	[timem:s7], [sflag:s23] =	dma.local [hbm:s5], s21  }
0x16: {  	_ =	swait.ge [sflag:s23], s21  }
0x17: {  	s4 =	ssub.s32 $0x0, s21;
	[sflag:s23] =	ssyncset.done $0x0  }
0x18: {  	[sflag:s23] =	ssyncadd.s32 s4;
	_ =	sdelay $0x1  }
0x19: {  	s24 =	simm.s32 $0x1B8B  }
0x1a: {  	_ =	swait.ge [sflag:s24], $0x1  }
0x1b: {  	[sflag:s24] =	ssyncset.done $0x0  }
0x1c: {  	s26 =	simm.s32 $0x1B8E;
	s25 =	sld [smem:$0x3FFE];
	[sflag:s24] =	ssyncadd.s32 $0xFFFFFFFF  }
0x1d: {  	s27 =	simm.s32 $execute0_lowered;
	[smem:$0x3FD2] =	sst s26  }
0x1e: {  	s5 =	sshll.u32 s27, $0x1;
	_ =	strace $0x80000049;
	[dreg:$0x1] =	wrdreg $0xFFFFFFFF  }
0x1f: {  	s28 =	simm.s32 $_size_execute0_lowered;
	s3 =	sadd.s32 s3, s5;
	[dreg:$0x0] =	wrdreg $0x0  }
0x20: {  	s5 =	sshll.u32 s28, $0x1;
	[dreg:$0x2] =	wrdreg s3  }
0x21: {  	[dreg:$0x3] =	wrdreg s5  }
0x22: {  	[dreg:$0x4] =	wrdreg $0xC0  }
0x23: {  	_ =	task [dreg:s7], $0x5FFFF  }
0x24: {  	[dreg:$0x1] =	wrdreg $0xFFFFFFFF  }
0x25: {  	[dreg:$0x0] =	wrdreg $0x60  }
0x26: {  	[dreg:$0x2] =	wrdreg s25  }
0x27: {  	[dreg:$0x3] =	wrdreg s2  }
0x28: {  	[dreg:$0x4] =	wrdreg $0x9  }
0x29: {  	_ =	task.clear_ibuf [dreg:s7], $0x5FFFF;
	_ =	strace $0x90000049  }
0x2a: {  	s29 =	simm.s32 $0x9;
	_ =	strace $0x8000004B  }
0x2b: {  	_ =	swait.ge [sflag:s29], $0x1  }
0x2c: {  	[sflag:s29] =	ssyncadd.s32 $0xFFFFFFFF  }
0x2d: {  	_ =	strace $0x9000004B  }
0x2e: {  	_ =	sfence  }
0x2f: {  	s30 =	sld [smem:$0x0];
	_ =	sdelay $0x2  }
0x30: {  	s31 =	sshll.u32 s1, $0xD;
	s1 =	sshrl.u32 s1, $0x2  }
0x31: {  	s3 =	sand.u32 $0x4000, s31;
	s1 =	sadd.s32 s1, s30  }
0x32: {  	s0 =	sor.u32 s3, s0;
	s1 =	sshll.u32 s1, $0x11  }
0x33: {  	s0 =	sor.u32 s1, s0  }
0x34: {  	s0 =	sadd.s32 $0x8F2B, s0  }
0x35: {  	[sflag:s0] =	ssyncadd.remote.s32 $0x1  }
0x36: {  	_ =	sfence.sel $0xFFFF  }
0x37: {  	[dreg:$0x0] =	wrdreg $0xFFFFFFFF;
	(pc) =	sbr.abs _section_cstart, $3  }
0x38: {  	[dreg:$0x1] =	wrdreg $0xFFFFFFFF  }
0x39: {  	_ =	task.clear_ibuf [dreg:s7], $0x2FFFF;
	_ =	strace $0x9FFFFFFF  }
0x3a: {  	(tm) =	ssettm $0x7FFFFFFF  }
0x3b: {  	_ =	shalt  }
tec
execute0_lowered:
.L_overlay_start_1:
0x0: {  	(tag) =	ssettag $0x1  }
0x1: {  	s0 =	srdreg.scid  }
0x2: {  	s1 =	sshll.u32 s0, $0x4  }
0x3: {  	s0 =	stileid.u32;
	s1 =	sand.u32 $0x10, s1  }
0x4: {  	s1 =	sor.u32 s0, s1  }
0x5: {  	s6 =	rddreg [dreg:$0x0];
	s4 =	simm.s32 $0x1;
	s2 =	sshll.u32 s1, $0x7  }
0x6: {  	s7 =	simm.s32 $0x2;
	s12 =	simm.s32 $0x0;
	s1 =	ssub.s32 $0x1000, s2  }
0x7: {  	s8 =	simm.s32 $0x8000;
	s13 =	simm.s32 $0x0;
	s3 =	sand.u32 $0xF80, s1  }
0x8: {  	s9 =	simm.s32 $0x0;
	s5 =	sshrl.u32 s1, $0xC;
	p0 =	sne.s32 s3, $0x0  }
.Ltmp0:
0x9: {  	s1 =	rddreg [dreg:$0x2];
	s4 =	simm.s32 @!p0 $0x0;
	(pc) =	sbr.rel .LBB1_1-.Ltmp0, $4  }
0xa: {  	s11 =	simm.s32 $0x0;
	s3 =	rddreg [dreg:$0x1];
	s5 =	sadd.s32 s4, s5  }
0xb: {  	_ =	strace $0x8000004A;
	s4 =	simm.s32 $0x1;
	s5 =	smul.u32 $0xC8, s5  }
0xc: {  	s6 =	sadd.s32 $0xA00, s6;
	s10 =	smov.u32 s2;
	[sflag:s4] =	ssyncpa.u1 $0x0  }
0xd: {  	p0 =	por $0x0, $0x0;
	[sflag:s7] =	ssyncpa.u1 $0x0;
	s7 =	sor.u32 $0x1, s5  }
.LBB1_4:
0xe: {  	s16 =	sshll.u32 s13, $0x3;
	s17 =	sand.u32 $0x78, s13  }
0xf: {  	s30 =	sand.u32 $0x7E00, s13;
	s12 =	sshll.u32 s12, $0xF;
	s16 =	sand.u32 $0xC00, s16  }
0x10: {  	[tilespmem:s15+$0x810 ss:$0x81] =	vst.msk $0xffff, v2;
	s31 =	sand.u32 $0x7, s13;
	s16 =	sor.u32 s17, s16;
	s17 =	sadd.s32 s3, s30  }
0x11: {  	[tilespmem:s15+$0x1020 ss:$0x81] =	vst.msk $0xffff, v0;
	s13 =	sshll.u32 s31, $0x12;
	s12 =	sadd.s32 s12, s17;
	s16 =	sshrl.u32 s16, $0x3  }
0x12: {  	[tilespmem:s15+$0x0 ss:$0x81] =	vst.msk $0xffff, v1;
	s13 =	sor.u32 $0x400, s13;
	s12 =	sadd.s32 s16, s12  }
0x13: {  	[hbm4b:s12+s13] =	stream.strided.scatter [tilespmem:s14], [sflag:$0x2], $0x2000, s8, s13, $0x20;
	[tilespmem:$0x8080] =	vst v63  }
.LBB1_5:
0x14: {  	s14 =	sadd.s32 $0x1, s9  }
0x15: {  	s12 =	sadd.s32 $0x1000, s10;
	s16 =	smov.u32 s10;
	p2 =	sgt.s32 s14, $0xC7  }
0x16: {  	s16 =	smov.u32 @p2 s12  }
0x17: {  	s14 =	simm.s32 @p2 $0x0;
	p2 =	sgt.s32 s16, $0xFFF  }
0x18: {  	s16 =	smov.u32 @p2 s2;
	p2 =	sne.s32 s11, s7  }
.Ltmp1:
0x19: {  	p1 =	slt.u32 s11, $0x2;
	(pc) =	sbr.rel @!p2 .LBB1_6-.Ltmp1, $4  }
0x1a: {  	s15 =	simm.s32 @!p1 $0x2  }
0x1b: {  	s13 =	smov.u32 s10;
	p0 =	por !p0, !p0;
	_ =	swait.ge @!p1 [sflag:s15], $0x2000  }
0x1c: {  	s12 =	smov.u32 s9;
	[sflag:s15] =	ssyncset.done @!p1 $0x0;
	s9 =	smov.u32 s14  }
0x1d: {  	s11 =	sadd.s32 $0x1, s11;
	[sflag:s15] =	ssyncadd.s32 @!p1 $0xFFFFE000;
	s10 =	smov.u32 s16  }
.LBB1_1:
0x1e: {  	p1 =	sge.u32 s11, s5  }
0x1f: {  	s14 =	sand.u32 @!p1 $0x1FFFFFF, s9  }
0x20: {  	s15 =	smulhi.u32 @!p1 $0x147AE15, s14;
	_ =	sdelay $0x1  }
0x21: {  	s15 =	smul.u32 @!p1 $0xC8, s15  }
0x22: {  	s16 =	sxor.u32 @!p1 $0xFFFFFFFF, s11;
	s17 =	smul.u32 @!p1 $0xC80, s10  }
0x23: {  	s31 =	sadd.s32 $0xFFFFFFFF, s11;
	s16 =	sshll.u32 @!p1 s16, $0xD;
	s14 =	ssub.s32 @!p1 s14, s15  }
0x24: {  	s15 =	sand.u32 @!p1 $0x2000, s16;
	s16 =	sadd.s32 @!p1 s6, s17;
	s14 =	sshll.u32 @!p1 s14, $0x4  }
0x25: {  	s17 =	simm.s32 @!p1 $0x6400;
	s14 =	sadd.s32 @!p1 s14, s16;
	s16 =	simm.s32 @!p1 $0x40  }
0x26: {  	[tilespmem:s15], [sflag:$0x1] =	stream.strided.gather @!p1 [hbm4b:s14+s16], $0x2000, s17, s16, $0x38;
	[tilespmem:$0x8080] =	vst v63  }
0x27: {  	p1 =	sge.u32 s31, s5  }
.Ltmp2:
0x28: {  	_ = 	snop;
	(pc) =	sbr.rel @p1 .LBB1_5-.Ltmp2, $1  }
0x29: {  	_ =	sdelay $0x3  }
0x2a: {  	s14 =	simm.s32 $0x1  }
0x2b: {  	_ =	swait.ge [sflag:s4], $0x2000;
	s14 =	simm.s32 @!p0 $0x0  }
0x2c: {  	[sflag:s4] =	ssyncset.done $0x0;
	s15 =	sshll.u32 s14, $0xD  }
0x2d: {  	[sflag:s4] =	ssyncadd.s32 $0xFFFFE000;
	s18 =	sor.u32 $0x20, s15  }
0x2e: {  	s14 =	smul.u32 $0x8100, s14;
	v3 =	vld [tilespmem:s18+$0x10]  }
0x2f: {  	s30 =	sand.u32 $0x1, s11;
	v2 =	vld [tilespmem:s18+$0xFFFFFFF0]  }
0x30: {  	s15 =	smul.u32 $0x8100, s30;
	s14 =	sshrl.u32 s14, $0x2;
	v0 =	vld [tilespmem:s18+$0x0]  }
0x31: {  	v1 =	vld [tilespmem:s18+$0xFFFFFFE0];
	s16 =	sor.u32 $0x4000, s14  }
0x32: {  	s31 =	sshrl.u32 s15, $0x2;
	s15 =	sadd.s32 $0x0, s16  }
0x33: {  	s17 =	simm.s32 $0x4;
	s18 =	sadd.s32 $0x40, s18;
	s14 =	sor.u32 $0x4000, s31;
	[tilespmem:s15+$0x1830 ss:$0x81] =	vst.msk $0xffff, v3  }
.LBB1_3:
0x34: {  	v3 =	vld [tilespmem:s18+$0x10];
	p1 =	sne.s32 s17, $0x1FC;
	[tilespmem:s15+$0x810 ss:$0x81] =	vst.msk $0xffff, v2;
	s19 =	smov.u32 s17;
	s17 =	sadd.s32 $0x4, s17  }
.Ltmp3:
0x35: {  	v2 =	vld [tilespmem:s18+$0xFFFFFFF0];
	[tilespmem:s15+$0x1020 ss:$0x81] =	vst.msk $0xffff, v0;
	(pc) =	sbr.rel @p1 .LBB1_3-.Ltmp3, $4  }
0x36: {  	v0 =	vld [tilespmem:s18+$0x0];
	[tilespmem:s15+$0x0 ss:$0x81] =	vst.msk $0xffff, v1  }
0x37: {  	s15 =	sshra.s32 s19, $0x2;
	v1 =	vld [tilespmem:s18+$0xFFFFFFE0]  }
0x38: {  	s15 =	sadd.s32 s15, s16  }
0x39: {  	s18 =	sadd.s32 $0x40, s18;
	[tilespmem:s15+$0x1830 ss:$0x81] =	vst.msk $0xffff, v3  }
.Ltmp4:
0x3a: {  	_ = 	snop;
	(pc) =	sbr.rel .LBB1_4-.Ltmp4, $1  }
0x3b: {  	_ =	sdelay $0x3  }
.LBB1_6:
0x3c: {  	_ =	sfence.sel $0x180000  }
0x3d: {  	s2 =	simm.s32 $0x1;
	[bflag:$0x0] =	sbarrier.arrive $0xFFFF  }
0x3e: {  	s31 =	simm.s32 $0x2;
	[sflag:s2] =	ssyncpa.u1 $0x1  }
0x3f: {  	[sflag:s31] =	ssyncpa.u1 $0x1  }
0x40: {  	p0 =	sne.s32 s0, $0x0;
	_ =	strace $0x9000004A  }
0x41: {  	s0 =	sadd.s32 @!p0 $0x100000, s1;
	[bflag:$0x2] =	sbarrier.arrive $0xFFFF  }
0x42: {  	[sflag:s0] =	ssyncadd.tile.s32 @!p0 $0x1;
	_ =	shalt  }
.Lfunc_end1:
_tile_overlayer_lowered:
.L_overlay_start_2:
0x43: {  	(tag) =	ssettag $0x2  }
0x44: {  	s0 =	rddreg [dreg:$0x0];
	s2 =	stileid.u32  }
0x45: {  	s1 =	rddreg [dreg:$0x1];
	p0 =	sne.s32 s2, $0x0  }
0x46: {  	s3 =	rddreg [dreg:$0x2];
	[bflag:$0x3] =	sbarrier.arrive $0xFFFF;
	s2 =	simm.s32 @!p0 $0x1C01  }
0x47: {  	[timem:s3], [sflag:s2] =	dma.local @!p0 [hbm:s0], s1  }
0x48: {  	s0 =	simm.s32 @!p0 $0x1  }
0x49: {  	_ =	swait.ge @!p0 [sflag:s0], s1  }
0x4a: {  	s1 =	ssub.s32 @!p0 $0x0, s1;
	[sflag:s0] =	ssyncset.done @!p0 $0x0  }
0x4b: {  	[sflag:s0] =	ssyncadd.s32 @!p0 s1  }
0x4c: {  	[bflag:$0x3] =	sbarrier.arrive $0xFFFF  }
0x4d: {  	_ =	shalt  }

</sc_bundles>
